<compile_context>
chip_gen: v7x
topology: tpu7x:2x2x1
jax: 0.10.2.dev20260603
libtpu: 0.0.44.dev20260713+nightly
codegen_flags: <defaults>
</compile_context>

<pallas_src>
import functools

import jax
import jax.numpy as jnp
from jax import lax
from jax.experimental import pallas as pl
from jax.experimental.pallas import tpu as pltpu
from jax.experimental.pallas import tpu_sc as plsc

N = 10000
E = 320000
D = 128
NS = 16
NW = 2 * NS
CH = 80
NCHUNK = 125
NP = 10240
ROWS_PT = NP // NS

_BLK = 2000



def _mm_body(h_ref, wl_ref, wr_ref, bl_ref, y_ref, z_ref):
    h = h_ref[...]
    dn = (((1,), (1,)), ((), ()))
    y_ref[...] = lax.dot_general(h, wl_ref[...], dn,
                                 preferred_element_type=jnp.float32)
    z_ref[...] = lax.dot_general(h, wr_ref[...], dn,
                                 preferred_element_type=jnp.float32) + bl_ref[...]


def _mm(h, wl, wr, bl):
    grid = (N // _BLK,)
    return pl.pallas_call(
        _mm_body,
        grid=grid,
        in_specs=[
            pl.BlockSpec((_BLK, D), lambda i: (i, 0)),
            pl.BlockSpec((D, D), lambda i: (0, 0)),
            pl.BlockSpec((D, D), lambda i: (0, 0)),
            pl.BlockSpec((1, D), lambda i: (0, 0)),
        ],
        out_specs=[
            pl.BlockSpec((_BLK, D), lambda i: (i, 0)),
            pl.BlockSpec((_BLK, D), lambda i: (i, 0)),
        ],
        out_shape=[
            jax.ShapeDtypeStruct((N, D), jnp.float32),
            jax.ShapeDtypeStruct((N, D), jnp.float32),
        ],
    )(h, wl, wr, bl.reshape(1, D))


def _combine_body(act, aggA_ref, aggB_ref, cntA_ref, cntB_ref, z_ref, o_ref):
    cnt = jnp.maximum(cntA_ref[...] + cntB_ref[...], 1.0)
    agg = aggA_ref[0] + aggB_ref[0]
    h = agg / cnt + z_ref[...]
    if act == "relu":
        h = jnp.maximum(h, 0.0)
    elif act == "logsoftmax":
        m = jnp.max(h, axis=1, keepdims=True)
        h = h - m
        h = h - jnp.log(jnp.sum(jnp.exp(h), axis=1, keepdims=True))
    o_ref[...] = h


def _combine(agg2, cntA, cntB, z, act):
    grid = (N // _BLK,)
    return pl.pallas_call(
        functools.partial(_combine_body, act),
        grid=grid,
        in_specs=[
            pl.BlockSpec((1, _BLK, D), lambda i: (0, i, 0)),
            pl.BlockSpec((1, _BLK, D), lambda i: (1, i, 0)),
            pl.BlockSpec((_BLK, 1), lambda i: (i, 0)),
            pl.BlockSpec((_BLK, 1), lambda i: (i, 0)),
            pl.BlockSpec((_BLK, D), lambda i: (i, 0)),
        ],
        out_specs=pl.BlockSpec((_BLK, D), lambda i: (i, 0)),
        out_shape=jax.ShapeDtypeStruct((N, D), jnp.float32),
    )(agg2, agg2, cntA, cntB, z)


def _fused_body(aggA_ref, aggB_ref, cntA_ref, cntB_ref, z_ref,
                wl_ref, wr_ref, bl_ref, y_ref, zo_ref):
    cnt = jnp.maximum(cntA_ref[...] + cntB_ref[...], 1.0)
    h = jnp.maximum((aggA_ref[0] + aggB_ref[0]) / cnt + z_ref[...], 0.0)
    dn = (((1,), (1,)), ((), ()))
    y_ref[...] = lax.dot_general(h, wl_ref[...], dn,
                                 preferred_element_type=jnp.float32)
    zo_ref[...] = lax.dot_general(h, wr_ref[...], dn,
                                  preferred_element_type=jnp.float32) + bl_ref[...]


def _fused(agg2, cntA, cntB, z, wl, wr, bl):
    grid = (N // _BLK,)
    return pl.pallas_call(
        _fused_body,
        grid=grid,
        in_specs=[
            pl.BlockSpec((1, _BLK, D), lambda i: (0, i, 0)),
            pl.BlockSpec((1, _BLK, D), lambda i: (1, i, 0)),
            pl.BlockSpec((_BLK, 1), lambda i: (i, 0)),
            pl.BlockSpec((_BLK, 1), lambda i: (i, 0)),
            pl.BlockSpec((_BLK, D), lambda i: (i, 0)),
            pl.BlockSpec((D, D), lambda i: (0, 0)),
            pl.BlockSpec((D, D), lambda i: (0, 0)),
            pl.BlockSpec((1, D), lambda i: (0, 0)),
        ],
        out_specs=[
            pl.BlockSpec((_BLK, D), lambda i: (i, 0)),
            pl.BlockSpec((_BLK, D), lambda i: (i, 0)),
        ],
        out_shape=[
            jax.ShapeDtypeStruct((N, D), jnp.float32),
            jax.ShapeDtypeStruct((N, D), jnp.float32),
        ],
    )(agg2, agg2, cntA, cntB, z, wl, wr, bl.reshape(1, D))



def _sc_body(with_counts, *refs):
    if with_counts:
        (ys_h, src_h, dst_h, zrows_h, zcnt_h,
         agg_h, cntA_h, cntB_h,
         acc_s, cntacc_s,
         src_v, dst_v, rows0_v, rows1_v, ones_v, rsems) = refs
    else:
        (ys_h, src_h, dst_h, zrows_h,
         agg_h,
         acc_s,
         src_v, dst_v, rows0_v, rows1_v, rsems) = refs

    cid = lax.axis_index("c")
    sid = lax.axis_index("s")
    wid = cid * NS + sid

    pltpu.sync_copy(zrows_h, acc_s.at[pl.ds(sid * ROWS_PT, ROWS_PT)])
    if with_counts:
        pltpu.sync_copy(zcnt_h, cntacc_s.at[pl.ds(sid * ROWS_PT, ROWS_PT)])

    pltpu.sync_copy(src_h.at[wid], src_v)
    pltpu.sync_copy(dst_h.at[wid], dst_v)

    if with_counts:
        for k in range(CH // 16):
            ones_v[pl.ds(k * 16, 16)] = jnp.full((16,), 1.0, jnp.float32)

    plsc.subcore_barrier()

    rows = (rows0_v, rows1_v)

    def g_start(c, b):
        pltpu.async_copy(ys_h.at[src_v.at[pl.ds(c * CH, CH)]], rows[b],
                        rsems.at[b])

    def g_wait(b):
        pltpu.make_async_copy(ys_h.at[src_v.at[pl.ds(0, CH)]], rows[b],
                              rsems.at[b]).wait()

    def scat(c, b):
        pltpu.sync_copy(rows[b], acc_s.at[dst_v.at[c]], add=True)
        if with_counts:
            pltpu.sync_copy(ones_v, cntacc_s.at[dst_v.at[c]], add=True)

    g_start(0, 0)

    def pair(i, _):
        c0 = 2 * i
        g_start(c0 + 1, 1)
        g_wait(0)
        scat(c0, 0)

        @pl.when(c0 + 2 < NCHUNK)
        def _():
            g_start(c0 + 2, 0)

        g_wait(1)
        scat(c0 + 1, 1)
        return 0

    lax.fori_loop(0, NCHUNK // 2, pair, 0)
    g_wait(0)
    scat(NCHUNK - 1, 0)

    plsc.subcore_barrier()

    pltpu.sync_copy(acc_s.at[pl.ds(sid * ROWS_PT, ROWS_PT)],
                    agg_h.at[cid].at[pl.ds(sid * ROWS_PT, ROWS_PT)])

    if with_counts:
        @pl.when(cid == 0)
        def _():
            pltpu.sync_copy(cntacc_s.at[pl.ds(sid * ROWS_PT, ROWS_PT)],
                            cntA_h.at[pl.ds(sid * ROWS_PT, ROWS_PT)])

        @pl.when(cid == 1)
        def _():
            pltpu.sync_copy(cntacc_s.at[pl.ds(sid * ROWS_PT, ROWS_PT)],
                            cntB_h.at[pl.ds(sid * ROWS_PT, ROWS_PT)])


def _sc_agg(ys, src2, dst2, zrows, zcnt):
    mesh = plsc.VectorSubcoreMesh(core_axis_name="c", subcore_axis_name="s")
    f = pl.kernel(
        functools.partial(_sc_body, True),
        out_type=[
            jax.ShapeDtypeStruct((2, NP, D), jnp.float32),
            jax.ShapeDtypeStruct((NP,), jnp.float32),
            jax.ShapeDtypeStruct((NP,), jnp.float32),
        ],
        mesh=mesh,
        scratch_types=[
            pltpu.VMEM_SHARED((NP, D), jnp.float32),
            pltpu.VMEM_SHARED((NP,), jnp.float32),
            pltpu.VMEM((NCHUNK * CH,), jnp.int32),
            pltpu.VMEM((NCHUNK, CH), jnp.int32),
            pltpu.VMEM((CH, D), jnp.float32),
            pltpu.VMEM((CH, D), jnp.float32),
            pltpu.VMEM((CH,), jnp.float32),
            pltpu.SemaphoreType.DMA((2,)),
        ],
    )
    return f(ys, src2, dst2, zrows, zcnt)


def _sc_agg_nocnt(ys, src2, dst2, zrows):
    mesh = plsc.VectorSubcoreMesh(core_axis_name="c", subcore_axis_name="s")
    f = pl.kernel(
        functools.partial(_sc_body, False),
        out_type=jax.ShapeDtypeStruct((2, NP, D), jnp.float32),
        mesh=mesh,
        scratch_types=[
            pltpu.VMEM_SHARED((NP, D), jnp.float32),
            pltpu.VMEM((NCHUNK * CH,), jnp.int32),
            pltpu.VMEM((NCHUNK, CH), jnp.int32),
            pltpu.VMEM((CH, D), jnp.float32),
            pltpu.VMEM((CH, D), jnp.float32),
            pltpu.SemaphoreType.DMA((2,)),
        ],
    )
    return f(ys, src2, dst2, zrows)



def kernel(x, edge_index, W1l, W1r, W2l, W2r, W3l, W3r, b1l, b2l, b3l):
    src2 = edge_index[0].reshape(NW, NCHUNK * CH)
    dst2 = edge_index[1].reshape(NW, NCHUNK, CH)
    zrows = jnp.zeros((ROWS_PT, D), jnp.float32)
    zcnt = jnp.zeros((ROWS_PT,), jnp.float32)

    y1, z1 = _mm(x, W1l, W1r, b1l)
    agg1, cntA, cntB = _sc_agg(y1, src2, dst2, zrows, zcnt)
    cA, cB = cntA.reshape(NP, 1), cntB.reshape(NP, 1)
    y2, z2 = _fused(agg1, cA, cB, z1, W2l, W2r, b2l)
    agg2 = _sc_agg_nocnt(y2, src2, dst2, zrows)
    y3, z3 = _fused(agg2, cA, cB, z2, W3l, W3r, b3l)
    agg3 = _sc_agg_nocnt(y3, src2, dst2, zrows)
    return _combine(agg3, cA, cB, z3, "logsoftmax")

# --- scband reference (transcript-rebuilt; emitter-appended) ---
"""Pipeline reference for scband-graph-sage-38165079392458 (READ-ONLY COPY).

The authoritative reference and input builder live on the scoring server;
editing this copy changes nothing except your own understanding.
"""

import jax, jax.numpy as jnp
import numpy as np

N = 10000
E = 320000
D = 128


def setup_inputs(seed: int = 0) -> dict:
    key = jax.random.key(seed)
    ks = jax.random.split(key, 12)
    x = jax.random.normal(ks[0], (N, D), dtype=jnp.float32)
    edge_index = jax.random.randint(ks[1], (2, E), 0, N)
    s = 1.0 / np.sqrt(D)
    params = {}
    names = ['W1l', 'W1r', 'W2l', 'W2r', 'W3l', 'W3r']
    for i, nm in enumerate(names):
        params[nm] = jax.random.uniform(ks[2 + i], (D, D), dtype=jnp.float32, minval=-s, maxval=s)
    params['b1l'] = jnp.zeros((D,), dtype=jnp.float32)
    params['b2l'] = jnp.zeros((D,), dtype=jnp.float32)
    params['b3l'] = jnp.zeros((D,), dtype=jnp.float32)
    return {'x': x, 'edge_index': edge_index, **params}


def _sage_conv(x, edge_index, Wl, bl, Wr):
    # PyG SAGEConv with mean aggregation:
    #   out = lin_l(mean_{j in N(i)} x_j) + lin_r(x_i)
    src = edge_index[0]
    dst = edge_index[1]
    msgs = jnp.take(x, src, axis=0)
    n = x.shape[0]
    summed = jax.ops.segment_sum(msgs, dst, num_segments=n)
    cnt = jax.ops.segment_sum(jnp.ones((edge_index.shape[1],), dtype=x.dtype), dst, num_segments=n)
    mean = summed / jnp.clip(cnt, 1.0)[:, None]
    return mean @ Wl.T + bl + x @ Wr.T


def reference(x, edge_index, W1l, W1r, W2l, W2r, W3l, W3r, b1l, b2l, b3l):
    # dropout is identity in eval mode (F.dropout with training=False)
    h = jax.nn.relu(_sage_conv(x, edge_index, W1l, b1l, W1r))
    h = jax.nn.relu(_sage_conv(h, edge_index, W2l, b2l, W2r))
    h = _sage_conv(h, edge_index, W3l, b3l, W3r)
    return jax.nn.log_softmax(h, axis=1)

if __name__ == "__main__":
    import jax
    _d = setup_inputs()
    print(jax.jit(kernel)(*tuple(_d.values())))

</pallas_src>

<mosaic_0001>
#map = affine_map<(d0, d1) -> (0, 0)>
#map1 = affine_map<(d0, d1) -> (0, 0, 0)>
module attributes {stable_mosaic.version = 14 : i64} {
  func.func @_sc_body(%arg0: i32, %arg1: i32, %arg2: memref<10000x128xf32, #tpu.memory_space<hbm>>, %arg3: memref<32x10000xi32, #tpu.memory_space<hbm>>, %arg4: memref<32x125x80xi32, #tpu.memory_space<hbm>>, %arg5: memref<640x128xf32, #tpu.memory_space<hbm>>, %arg6: memref<2x10240x128xf32, #tpu.memory_space<hbm>>, %arg7: memref<10240x128xf32, #tpu.memory_space<vmem_shared>>, %arg8: memref<10000xi32, #tpu.memory_space<vmem>>, %arg9: memref<125x80xi32, #tpu.memory_space<vmem>>, %arg10: memref<80x128xf32, #tpu.memory_space<vmem>>, %arg11: memref<80x128xf32, #tpu.memory_space<vmem>>, %arg12: memref<2x!tpu.dma_semaphore, #tpu.memory_space<semaphore_mem>>) attributes {dimension_semantics = [#tpu.dimension_semantics<core_parallel>, #tpu.dimension_semantics<subcore_parallel>], iteration_bounds = array<i64: 2, 16>, scalar_prefetch = 0 : i64, scratch_operands = 6 : i64, tpu.core_type = #tpu.core_type<sc_vector_subcore>, window_params = [{transform_indices = #map}, {transform_indices = #map}, {transform_indices = #map1}, {transform_indices = #map}, {transform_indices = #map1}]} {
    %mul3A = arith.constant 16 : i32
    %mul3A_0 = arith.muli %arg0, %mul3A : i32
    %add3A = arith.addi %mul3A_0, %arg1 : i32
    %mul3A_1 = arith.constant 640 : i32
    %mul3A_2 = arith.muli %arg1, %mul3A_1 : i32
    "tpu.region"() ({
      %run_scoped3A_28 = tpu.sem_alloc : memref<!tpu.dma_semaphore, #tpu.memory_space<semaphore_mem>>
      %dma_start3A_29 = arith.constant 0 : i32
      %dma_start3A_30 = tpu.memref_slice %arg7[%mul3A_2, %dma_start3A_29] : memref<10240x128xf32, #tpu.memory_space<vmem_shared>> -> memref<640x128xf32, #tpu.memory_space<vmem_shared>>
      tpu.enqueue_dma source(%arg5 : memref<640x128xf32, #tpu.memory_space<hbm>>) target(%dma_start3A_30 : memref<640x128xf32, #tpu.memory_space<vmem_shared>>) target_semaphore(%run_scoped3A_28 : memref<!tpu.dma_semaphore, #tpu.memory_space<semaphore_mem>>)
      %dma_wait3A_31 = arith.constant 0 : i32
      %dma_wait3A_32 = tpu.memref_slice %arg7[%mul3A_2, %dma_wait3A_31] : memref<10240x128xf32, #tpu.memory_space<vmem_shared>> -> memref<640x128xf32, #tpu.memory_space<vmem_shared>>
      tpu.wait_dma2 semaphore(%run_scoped3A_28 : memref<!tpu.dma_semaphore, #tpu.memory_space<semaphore_mem>>) src(%arg5 : memref<640x128xf32, #tpu.memory_space<hbm>>) dst(%dma_wait3A_32 : memref<640x128xf32, #tpu.memory_space<vmem_shared>>)
      tpu.yield
    }) : () -> ()
    "tpu.region"() ({
      %run_scoped3A_28 = tpu.sem_alloc : memref<!tpu.dma_semaphore, #tpu.memory_space<semaphore_mem>>
      %dma_start3A_29 = arith.constant 0 : i32
      %dma_start3A_30 = tpu.memref_slice %arg3[%add3A, %dma_start3A_29] : memref<32x10000xi32, #tpu.memory_space<hbm>> -> memref<1x10000xi32, #tpu.memory_space<hbm>>
      %dma_start3A_31 = tpu.memref_squeeze %dma_start3A_30 : memref<1x10000xi32, #tpu.memory_space<hbm>> -> memref<10000xi32, #tpu.memory_space<hbm>>
      %dma_start3A_32 = arith.constant 0 : i32
      %dma_start3A_33 = tpu.memref_slice %arg3[%add3A, %dma_start3A_32] : memref<32x10000xi32, #tpu.memory_space<hbm>> -> memref<1x10000xi32, #tpu.memory_space<hbm>>
      %dma_start3A_34 = tpu.memref_squeeze %dma_start3A_33 : memref<1x10000xi32, #tpu.memory_space<hbm>> -> memref<10000xi32, #tpu.memory_space<hbm>>
      tpu.enqueue_dma source(%dma_start3A_34 : memref<10000xi32, #tpu.memory_space<hbm>>) target(%arg8 : memref<10000xi32, #tpu.memory_space<vmem>>) target_semaphore(%run_scoped3A_28 : memref<!tpu.dma_semaphore, #tpu.memory_space<semaphore_mem>>)
      %dma_wait3A_35 = arith.constant 0 : i32
      %dma_wait3A_36 = tpu.memref_slice %arg3[%add3A, %dma_wait3A_35] : memref<32x10000xi32, #tpu.memory_space<hbm>> -> memref<1x10000xi32, #tpu.memory_space<hbm>>
      %dma_wait3A_37 = tpu.memref_squeeze %dma_wait3A_36 : memref<1x10000xi32, #tpu.memory_space<hbm>> -> memref<10000xi32, #tpu.memory_space<hbm>>
      %dma_wait3A_38 = arith.constant 0 : i32
      %dma_wait3A_39 = tpu.memref_slice %arg3[%add3A, %dma_wait3A_38] : memref<32x10000xi32, #tpu.memory_space<hbm>> -> memref<1x10000xi32, #tpu.memory_space<hbm>>
      %dma_wait3A_40 = tpu.memref_squeeze %dma_wait3A_39 : memref<1x10000xi32, #tpu.memory_space<hbm>> -> memref<10000xi32, #tpu.memory_space<hbm>>
      tpu.wait_dma2 semaphore(%run_scoped3A_28 : memref<!tpu.dma_semaphore, #tpu.memory_space<semaphore_mem>>) src(%dma_wait3A_40 : memref<10000xi32, #tpu.memory_space<hbm>>) dst(%arg8 : memref<10000xi32, #tpu.memory_space<vmem>>)
      tpu.yield
    }) : () -> ()
    "tpu.region"() ({
      %run_scoped3A_28 = tpu.sem_alloc : memref<!tpu.dma_semaphore, #tpu.memory_space<semaphore_mem>>
      %dma_start3A_29 = arith.constant 0 : i32
      %dma_start3A_30 = arith.constant 0 : i32
      %dma_start3A_31 = tpu.memref_slice %arg4[%add3A, %dma_start3A_29, %dma_start3A_30] : memref<32x125x80xi32, #tpu.memory_space<hbm>> -> memref<1x125x80xi32, #tpu.memory_space<hbm>>
      %dma_start3A_32 = tpu.memref_squeeze %dma_start3A_31 : memref<1x125x80xi32, #tpu.memory_space<hbm>> -> memref<125x80xi32, #tpu.memory_space<hbm>>
      %dma_start3A_33 = arith.constant 0 : i32
      %dma_start3A_34 = arith.constant 0 : i32
      %dma_start3A_35 = tpu.memref_slice %arg4[%add3A, %dma_start3A_33, %dma_start3A_34] : memref<32x125x80xi32, #tpu.memory_space<hbm>> -> memref<1x125x80xi32, #tpu.memory_space<hbm>>
      %dma_start3A_36 = tpu.memref_squeeze %dma_start3A_35 : memref<1x125x80xi32, #tpu.memory_space<hbm>> -> memref<125x80xi32, #tpu.memory_space<hbm>>
      tpu.enqueue_dma source(%dma_start3A_36 : memref<125x80xi32, #tpu.memory_space<hbm>>) target(%arg9 : memref<125x80xi32, #tpu.memory_space<vmem>>) target_semaphore(%run_scoped3A_28 : memref<!tpu.dma_semaphore, #tpu.memory_space<semaphore_mem>>)
      %dma_wait3A_37 = arith.constant 0 : i32
      %dma_wait3A_38 = arith.constant 0 : i32
      %dma_wait3A_39 = tpu.memref_slice %arg4[%add3A, %dma_wait3A_37, %dma_wait3A_38] : memref<32x125x80xi32, #tpu.memory_space<hbm>> -> memref<1x125x80xi32, #tpu.memory_space<hbm>>
      %dma_wait3A_40 = tpu.memref_squeeze %dma_wait3A_39 : memref<1x125x80xi32, #tpu.memory_space<hbm>> -> memref<125x80xi32, #tpu.memory_space<hbm>>
      %dma_wait3A_41 = arith.constant 0 : i32
      %dma_wait3A_42 = arith.constant 0 : i32
      %dma_wait3A_43 = tpu.memref_slice %arg4[%add3A, %dma_wait3A_41, %dma_wait3A_42] : memref<32x125x80xi32, #tpu.memory_space<hbm>> -> memref<1x125x80xi32, #tpu.memory_space<hbm>>
      %dma_wait3A_44 = tpu.memref_squeeze %dma_wait3A_43 : memref<1x125x80xi32, #tpu.memory_space<hbm>> -> memref<125x80xi32, #tpu.memory_space<hbm>>
      tpu.wait_dma2 semaphore(%run_scoped3A_28 : memref<!tpu.dma_semaphore, #tpu.memory_space<semaphore_mem>>) src(%dma_wait3A_44 : memref<125x80xi32, #tpu.memory_space<hbm>>) dst(%arg9 : memref<125x80xi32, #tpu.memory_space<vmem>>)
      tpu.yield
    }) : () -> ()
    %barrier3A = arith.constant 0 : index
    tpu.barrier barrier_id(%barrier3A)
    %dma_start3A = arith.constant 0 : i32
    %dma_start3A_3 = arith.constant 0 : i32
    %dma_start3A_4 = tpu.memref_slice %arg8[%dma_start3A_3] : memref<10000xi32, #tpu.memory_space<vmem>> -> memref<80xi32, #tpu.memory_space<vmem>>
    %dma_start3A_5 = arith.constant 0 : i32
    %dma_start3A_6 = arith.constant 0 : i32
    %dma_start3A_7 = tpu.memref_slice %arg2[%dma_start3A_5, %dma_start3A_6] : memref<10000x128xf32, #tpu.memory_space<hbm>> -> memref<10000x128xf32, #tpu.memory_space<hbm>>
    %dma_start3A_8 = tpu.memref_slice %arg12[%dma_start3A] : memref<2x!tpu.dma_semaphore, #tpu.memory_space<semaphore_mem>> -> memref<1x!tpu.dma_semaphore, #tpu.memory_space<semaphore_mem>>
    %dma_start3A_9 = tpu.memref_squeeze %dma_start3A_8 : memref<1x!tpu.dma_semaphore, #tpu.memory_space<semaphore_mem>> -> memref<!tpu.dma_semaphore, #tpu.memory_space<semaphore_mem>>
    tpu.enqueue_indirect_dma source(%dma_start3A_7 : memref<10000x128xf32, #tpu.memory_space<hbm>>) target(%arg10 : memref<80x128xf32, #tpu.memory_space<vmem>>) offsets(%dma_start3A_4 : memref<80xi32, #tpu.memory_space<vmem>>) semaphore(%dma_start3A_9 : memref<!tpu.dma_semaphore, #tpu.memory_space<semaphore_mem>>)
    %scan3A = arith.constant 0 : i32
    %scan3A_10 = arith.constant 0 : i32
    %scan3A_11 = arith.constant 62 : i32
    %scan3A_12 = arith.addi %scan3A_10, %scan3A_11 : i32
    %scan3A_13 = arith.constant 1 : i32
    %scan3A_14 = scf.for %scan3A_28 = %scan3A_10 to %scan3A_12 step %scan3A_13 iter_args(%scan3A_29 = %scan3A) -> (i32)  : i32 {
      %mul3A_30 = arith.constant 2 : i32
      %mul3A_31 = arith.muli %mul3A_30, %scan3A_28 : i32
      %add3A_32 = arith.constant 1 : i32
      %add3A_33 = arith.addi %mul3A_31, %add3A_32 : i32
      %mul3A_34 = arith.constant 80 : i32
      %mul3A_35 = arith.muli %add3A_33, %mul3A_34 : i32
      %dma_start3A_36 = arith.constant 1 : i32
      %dma_start3A_37 = tpu.memref_slice %arg8[%mul3A_35] : memref<10000xi32, #tpu.memory_space<vmem>> -> memref<80xi32, #tpu.memory_space<vmem>>
      %dma_start3A_38 = arith.constant 0 : i32
      %dma_start3A_39 = arith.constant 0 : i32
      %dma_start3A_40 = tpu.memref_slice %arg2[%dma_start3A_38, %dma_start3A_39] : memref<10000x128xf32, #tpu.memory_space<hbm>> -> memref<10000x128xf32, #tpu.memory_space<hbm>>
      %dma_start3A_41 = tpu.memref_slice %arg12[%dma_start3A_36] : memref<2x!tpu.dma_semaphore, #tpu.memory_space<semaphore_mem>> -> memref<1x!tpu.dma_semaphore, #tpu.memory_space<semaphore_mem>>
      %dma_start3A_42 = tpu.memref_squeeze %dma_start3A_41 : memref<1x!tpu.dma_semaphore, #tpu.memory_space<semaphore_mem>> -> memref<!tpu.dma_semaphore, #tpu.memory_space<semaphore_mem>>
      tpu.enqueue_indirect_dma source(%dma_start3A_40 : memref<10000x128xf32, #tpu.memory_space<hbm>>) target(%arg11 : memref<80x128xf32, #tpu.memory_space<vmem>>) offsets(%dma_start3A_37 : memref<80xi32, #tpu.memory_space<vmem>>) semaphore(%dma_start3A_42 : memref<!tpu.dma_semaphore, #tpu.memory_space<semaphore_mem>>)
      %dma_wait3A_43 = arith.constant 0 : i32
      %dma_wait3A_44 = arith.constant 0 : i32
      %dma_wait3A_45 = tpu.memref_slice %arg8[%dma_wait3A_44] : memref<10000xi32, #tpu.memory_space<vmem>> -> memref<80xi32, #tpu.memory_space<vmem>>
      %dma_wait3A_46 = arith.constant 0 : i32
      %dma_wait3A_47 = arith.constant 0 : i32
      %dma_wait3A_48 = tpu.memref_slice %arg2[%dma_wait3A_46, %dma_wait3A_47] : memref<10000x128xf32, #tpu.memory_space<hbm>> -> memref<10000x128xf32, #tpu.memory_space<hbm>>
      %dma_wait3A_49 = tpu.memref_slice %arg12[%dma_wait3A_43] : memref<2x!tpu.dma_semaphore, #tpu.memory_space<semaphore_mem>> -> memref<1x!tpu.dma_semaphore, #tpu.memory_space<semaphore_mem>>
      %dma_wait3A_50 = tpu.memref_squeeze %dma_wait3A_49 : memref<1x!tpu.dma_semaphore, #tpu.memory_space<semaphore_mem>> -> memref<!tpu.dma_semaphore, #tpu.memory_space<semaphore_mem>>
      tpu.wait_indirect_dma semaphore(%dma_wait3A_50 : memref<!tpu.dma_semaphore, #tpu.memory_space<semaphore_mem>>) src(%dma_wait3A_48 : memref<10000x128xf32, #tpu.memory_space<hbm>>) dst(%arg10 : memref<80x128xf32, #tpu.memory_space<vmem>>)
      "tpu.region"() ({
        %run_scoped3A_66 = tpu.sem_alloc : memref<!tpu.dma_semaphore, #tpu.memory_space<semaphore_mem>>
        %dma_start3A_67 = arith.constant 0 : i32
        %dma_start3A_68 = tpu.memref_slice %arg9[%mul3A_31, %dma_start3A_67] : memref<125x80xi32, #tpu.memory_space<vmem>> -> memref<1x80xi32, #tpu.memory_space<vmem>>
        %dma_start3A_69 = tpu.memref_squeeze %dma_start3A_68 : memref<1x80xi32, #tpu.memory_space<vmem>> -> memref<80xi32, #tpu.memory_space<vmem>>
        %dma_start3A_70 = arith.constant 0 : i32
        %dma_start3A_71 = arith.constant 0 : i32
        %dma_start3A_72 = tpu.memref_slice %arg7[%dma_start3A_70, %dma_start3A_71] : memref<10240x128xf32, #tpu.memory_space<vmem_shared>> -> memref<10240x128xf32, #tpu.memory_space<vmem_shared>>
        tpu.enqueue_indirect_dma source(%arg10 : memref<80x128xf32, #tpu.memory_space<vmem>>) target(%dma_start3A_72 : memref<10240x128xf32, #tpu.memory_space<vmem_shared>>) offsets(%dma_start3A_69 : memref<80xi32, #tpu.memory_space<vmem>>) semaphore(%run_scoped3A_66 : memref<!tpu.dma_semaphore, #tpu.memory_space<semaphore_mem>>) {add = true}
        %dma_wait3A_73 = arith.constant 0 : i32
        %dma_wait3A_74 = tpu.memref_slice %arg9[%mul3A_31, %dma_wait3A_73] : memref<125x80xi32, #tpu.memory_space<vmem>> -> memref<1x80xi32, #tpu.memory_space<vmem>>
        %dma_wait3A_75 = tpu.memref_squeeze %dma_wait3A_74 : memref<1x80xi32, #tpu.memory_space<vmem>> -> memref<80xi32, #tpu.memory_space<vmem>>
        %dma_wait3A_76 = arith.constant 0 : i32
        %dma_wait3A_77 = arith.constant 0 : i32
        %dma_wait3A_78 = tpu.memref_slice %arg7[%dma_wait3A_76, %dma_wait3A_77] : memref<10240x128xf32, #tpu.memory_space<vmem_shared>> -> memref<10240x128xf32, #tpu.memory_space<vmem_shared>>
        tpu.wait_indirect_dma semaphore(%run_scoped3A_66 : memref<!tpu.dma_semaphore, #tpu.memory_space<semaphore_mem>>) src(%arg10 : memref<80x128xf32, #tpu.memory_space<vmem>>) dst(%dma_wait3A_78 : memref<10240x128xf32, #tpu.memory_space<vmem_shared>>)
        tpu.yield
      }) : () -> ()
      %add3A_51 = arith.constant 2 : i32
      %add3A_52 = arith.addi %mul3A_31, %add3A_51 : i32
      %lt3A = arith.constant 125 : i32
      %lt3A_53 = arith.cmpi slt, %add3A_52, %lt3A : i32
      %convert_element_type3A = arith.extui %lt3A_53 : i1 to i32
      %cond3A = arith.constant 0 : i32
      %cond3A_54 = arith.cmpi ne, %convert_element_type3A, %cond3A : i32
      scf.if %cond3A_54 {
        %add3A_66 = arith.constant 2 : i32
        %add3A_67 = arith.addi %mul3A_31, %add3A_66 : i32
        %mul3A_68 = arith.constant 80 : i32
        %mul3A_69 = arith.muli %add3A_67, %mul3A_68 : i32
        %dma_start3A_70 = arith.constant 0 : i32
        %dma_start3A_71 = tpu.memref_slice %arg8[%mul3A_69] : memref<10000xi32, #tpu.memory_space<vmem>> -> memref<80xi32, #tpu.memory_space<vmem>>
        %dma_start3A_72 = arith.constant 0 : i32
        %dma_start3A_73 = arith.constant 0 : i32
        %dma_start3A_74 = tpu.memref_slice %arg2[%dma_start3A_72, %dma_start3A_73] : memref<10000x128xf32, #tpu.memory_space<hbm>> -> memref<10000x128xf32, #tpu.memory_space<hbm>>
        %dma_start3A_75 = tpu.memref_slice %arg12[%dma_start3A_70] : memref<2x!tpu.dma_semaphore, #tpu.memory_space<semaphore_mem>> -> memref<1x!tpu.dma_semaphore, #tpu.memory_space<semaphore_mem>>
        %dma_start3A_76 = tpu.memref_squeeze %dma_start3A_75 : memref<1x!tpu.dma_semaphore, #tpu.memory_space<semaphore_mem>> -> memref<!tpu.dma_semaphore, #tpu.memory_space<semaphore_mem>>
        tpu.enqueue_indirect_dma source(%dma_start3A_74 : memref<10000x128xf32, #tpu.memory_space<hbm>>) target(%arg10 : memref<80x128xf32, #tpu.memory_space<vmem>>) offsets(%dma_start3A_71 : memref<80xi32, #tpu.memory_space<vmem>>) semaphore(%dma_start3A_76 : memref<!tpu.dma_semaphore, #tpu.memory_space<semaphore_mem>>)
      } else {
      }
      %dma_wait3A_55 = arith.constant 1 : i32
      %dma_wait3A_56 = arith.constant 0 : i32
      %dma_wait3A_57 = tpu.memref_slice %arg8[%dma_wait3A_56] : memref<10000xi32, #tpu.memory_space<vmem>> -> memref<80xi32, #tpu.memory_space<vmem>>
      %dma_wait3A_58 = arith.constant 0 : i32
      %dma_wait3A_59 = arith.constant 0 : i32
      %dma_wait3A_60 = tpu.memref_slice %arg2[%dma_wait3A_58, %dma_wait3A_59] : memref<10000x128xf32, #tpu.memory_space<hbm>> -> memref<10000x128xf32, #tpu.memory_space<hbm>>
      %dma_wait3A_61 = tpu.memref_slice %arg12[%dma_wait3A_55] : memref<2x!tpu.dma_semaphore, #tpu.memory_space<semaphore_mem>> -> memref<1x!tpu.dma_semaphore, #tpu.memory_space<semaphore_mem>>
      %dma_wait3A_62 = tpu.memref_squeeze %dma_wait3A_61 : memref<1x!tpu.dma_semaphore, #tpu.memory_space<semaphore_mem>> -> memref<!tpu.dma_semaphore, #tpu.memory_space<semaphore_mem>>
      tpu.wait_indirect_dma semaphore(%dma_wait3A_62 : memref<!tpu.dma_semaphore, #tpu.memory_space<semaphore_mem>>) src(%dma_wait3A_60 : memref<10000x128xf32, #tpu.memory_space<hbm>>) dst(%arg11 : memref<80x128xf32, #tpu.memory_space<vmem>>)
      %add3A_63 = arith.constant 1 : i32
      %add3A_64 = arith.addi %mul3A_31, %add3A_63 : i32
      "tpu.region"() ({
        %run_scoped3A_66 = tpu.sem_alloc : memref<!tpu.dma_semaphore, #tpu.memory_space<semaphore_mem>>
        %dma_start3A_67 = arith.constant 0 : i32
        %dma_start3A_68 = tpu.memref_slice %arg9[%add3A_64, %dma_start3A_67] : memref<125x80xi32, #tpu.memory_space<vmem>> -> memref<1x80xi32, #tpu.memory_space<vmem>>
        %dma_start3A_69 = tpu.memref_squeeze %dma_start3A_68 : memref<1x80xi32, #tpu.memory_space<vmem>> -> memref<80xi32, #tpu.memory_space<vmem>>
        %dma_start3A_70 = arith.constant 0 : i32
        %dma_start3A_71 = arith.constant 0 : i32
        %dma_start3A_72 = tpu.memref_slice %arg7[%dma_start3A_70, %dma_start3A_71] : memref<10240x128xf32, #tpu.memory_space<vmem_shared>> -> memref<10240x128xf32, #tpu.memory_space<vmem_shared>>
        tpu.enqueue_indirect_dma source(%arg11 : memref<80x128xf32, #tpu.memory_space<vmem>>) target(%dma_start3A_72 : memref<10240x128xf32, #tpu.memory_space<vmem_shared>>) offsets(%dma_start3A_69 : memref<80xi32, #tpu.memory_space<vmem>>) semaphore(%run_scoped3A_66 : memref<!tpu.dma_semaphore, #tpu.memory_space<semaphore_mem>>) {add = true}
        %dma_wait3A_73 = arith.constant 0 : i32
        %dma_wait3A_74 = tpu.memref_slice %arg9[%add3A_64, %dma_wait3A_73] : memref<125x80xi32, #tpu.memory_space<vmem>> -> memref<1x80xi32, #tpu.memory_space<vmem>>
        %dma_wait3A_75 = tpu.memref_squeeze %dma_wait3A_74 : memref<1x80xi32, #tpu.memory_space<vmem>> -> memref<80xi32, #tpu.memory_space<vmem>>
        %dma_wait3A_76 = arith.constant 0 : i32
        %dma_wait3A_77 = arith.constant 0 : i32
        %dma_wait3A_78 = tpu.memref_slice %arg7[%dma_wait3A_76, %dma_wait3A_77] : memref<10240x128xf32, #tpu.memory_space<vmem_shared>> -> memref<10240x128xf32, #tpu.memory_space<vmem_shared>>
        tpu.wait_indirect_dma semaphore(%run_scoped3A_66 : memref<!tpu.dma_semaphore, #tpu.memory_space<semaphore_mem>>) src(%arg11 : memref<80x128xf32, #tpu.memory_space<vmem>>) dst(%dma_wait3A_78 : memref<10240x128xf32, #tpu.memory_space<vmem_shared>>)
        tpu.yield
      }) : () -> ()
      %scan3A_65 = arith.constant 0 : i32
      scf.yield %scan3A_65 : i32
    }
    %scan3A_15 = arith.constant 62 : i32
    %dma_wait3A = arith.constant 0 : i32
    %dma_wait3A_16 = arith.constant 0 : i32
    %dma_wait3A_17 = tpu.memref_slice %arg8[%dma_wait3A_16] : memref<10000xi32, #tpu.memory_space<vmem>> -> memref<80xi32, #tpu.memory_space<vmem>>
    %dma_wait3A_18 = arith.constant 0 : i32
    %dma_wait3A_19 = arith.constant 0 : i32
    %dma_wait3A_20 = tpu.memref_slice %arg2[%dma_wait3A_18, %dma_wait3A_19] : memref<10000x128xf32, #tpu.memory_space<hbm>> -> memref<10000x128xf32, #tpu.memory_space<hbm>>
    %dma_wait3A_21 = tpu.memref_slice %arg12[%dma_wait3A] : memref<2x!tpu.dma_semaphore, #tpu.memory_space<semaphore_mem>> -> memref<1x!tpu.dma_semaphore, #tpu.memory_space<semaphore_mem>>
    %dma_wait3A_22 = tpu.memref_squeeze %dma_wait3A_21 : memref<1x!tpu.dma_semaphore, #tpu.memory_space<semaphore_mem>> -> memref<!tpu.dma_semaphore, #tpu.memory_space<semaphore_mem>>
    tpu.wait_indirect_dma semaphore(%dma_wait3A_22 : memref<!tpu.dma_semaphore, #tpu.memory_space<semaphore_mem>>) src(%dma_wait3A_20 : memref<10000x128xf32, #tpu.memory_space<hbm>>) dst(%arg10 : memref<80x128xf32, #tpu.memory_space<vmem>>)
    %run_scoped3A = arith.constant 124 : i32
    "tpu.region"() ({
      %run_scoped3A_28 = tpu.sem_alloc : memref<!tpu.dma_semaphore, #tpu.memory_space<semaphore_mem>>
      %dma_start3A_29 = arith.constant 0 : i32
      %dma_start3A_30 = tpu.memref_slice %arg9[%run_scoped3A, %dma_start3A_29] : memref<125x80xi32, #tpu.memory_space<vmem>> -> memref<1x80xi32, #tpu.memory_space<vmem>>
      %dma_start3A_31 = tpu.memref_squeeze %dma_start3A_30 : memref<1x80xi32, #tpu.memory_space<vmem>> -> memref<80xi32, #tpu.memory_space<vmem>>
      %dma_start3A_32 = arith.constant 0 : i32
      %dma_start3A_33 = arith.constant 0 : i32
      %dma_start3A_34 = tpu.memref_slice %arg7[%dma_start3A_32, %dma_start3A_33] : memref<10240x128xf32, #tpu.memory_space<vmem_shared>> -> memref<10240x128xf32, #tpu.memory_space<vmem_shared>>
      tpu.enqueue_indirect_dma source(%arg10 : memref<80x128xf32, #tpu.memory_space<vmem>>) target(%dma_start3A_34 : memref<10240x128xf32, #tpu.memory_space<vmem_shared>>) offsets(%dma_start3A_31 : memref<80xi32, #tpu.memory_space<vmem>>) semaphore(%run_scoped3A_28 : memref<!tpu.dma_semaphore, #tpu.memory_space<semaphore_mem>>) {add = true}
      %dma_wait3A_35 = arith.constant 0 : i32
      %dma_wait3A_36 = tpu.memref_slice %arg9[%run_scoped3A, %dma_wait3A_35] : memref<125x80xi32, #tpu.memory_space<vmem>> -> memref<1x80xi32, #tpu.memory_space<vmem>>
      %dma_wait3A_37 = tpu.memref_squeeze %dma_wait3A_36 : memref<1x80xi32, #tpu.memory_space<vmem>> -> memref<80xi32, #tpu.memory_space<vmem>>
      %dma_wait3A_38 = arith.constant 0 : i32
      %dma_wait3A_39 = arith.constant 0 : i32
      %dma_wait3A_40 = tpu.memref_slice %arg7[%dma_wait3A_38, %dma_wait3A_39] : memref<10240x128xf32, #tpu.memory_space<vmem_shared>> -> memref<10240x128xf32, #tpu.memory_space<vmem_shared>>
      tpu.wait_indirect_dma semaphore(%run_scoped3A_28 : memref<!tpu.dma_semaphore, #tpu.memory_space<semaphore_mem>>) src(%arg10 : memref<80x128xf32, #tpu.memory_space<vmem>>) dst(%dma_wait3A_40 : memref<10240x128xf32, #tpu.memory_space<vmem_shared>>)
      tpu.yield
    }) : () -> ()
    %barrier3A_23 = arith.constant 0 : index
    tpu.barrier barrier_id(%barrier3A_23)
    %mul3A_24 = arith.constant 640 : i32
    %mul3A_25 = arith.muli %arg1, %mul3A_24 : i32
    %mul3A_26 = arith.constant 640 : i32
    %mul3A_27 = arith.muli %arg1, %mul3A_26 : i32
    "tpu.region"() ({
      %run_scoped3A_28 = tpu.sem_alloc : memref<!tpu.dma_semaphore, #tpu.memory_space<semaphore_mem>>
      %dma_start3A_29 = arith.constant 0 : i32
      %dma_start3A_30 = arith.constant 0 : i32
      %dma_start3A_31 = tpu.memref_slice %arg6[%arg0, %dma_start3A_29, %dma_start3A_30] : memref<2x10240x128xf32, #tpu.memory_space<hbm>> -> memref<1x10240x128xf32, #tpu.memory_space<hbm>>
      %dma_start3A_32 = tpu.memref_squeeze %dma_start3A_31 : memref<1x10240x128xf32, #tpu.memory_space<hbm>> -> memref<10240x128xf32, #tpu.memory_space<hbm>>
      %dma_start3A_33 = arith.constant 0 : i32
      %dma_start3A_34 = tpu.memref_slice %dma_start3A_32[%mul3A_27, %dma_start3A_33] : memref<10240x128xf32, #tpu.memory_space<hbm>> -> memref<640x128xf32, #tpu.memory_space<hbm>>
      %dma_start3A_35 = arith.constant 0 : i32
      %dma_start3A_36 = tpu.memref_slice %arg7[%mul3A_25, %dma_start3A_35] : memref<10240x128xf32, #tpu.memory_space<vmem_shared>> -> memref<640x128xf32, #tpu.memory_space<vmem_shared>>
      tpu.enqueue_dma source(%dma_start3A_36 : memref<640x128xf32, #tpu.memory_space<vmem_shared>>) target(%dma_start3A_34 : memref<640x128xf32, #tpu.memory_space<hbm>>) target_semaphore(%run_scoped3A_28 : memref<!tpu.dma_semaphore, #tpu.memory_space<semaphore_mem>>)
      %dma_wait3A_37 = arith.constant 0 : i32
      %dma_wait3A_38 = arith.constant 0 : i32
      %dma_wait3A_39 = tpu.memref_slice %arg6[%arg0, %dma_wait3A_37, %dma_wait3A_38] : memref<2x10240x128xf32, #tpu.memory_space<hbm>> -> memref<1x10240x128xf32, #tpu.memory_space<hbm>>
      %dma_wait3A_40 = tpu.memref_squeeze %dma_wait3A_39 : memref<1x10240x128xf32, #tpu.memory_space<hbm>> -> memref<10240x128xf32, #tpu.memory_space<hbm>>
      %dma_wait3A_41 = arith.constant 0 : i32
      %dma_wait3A_42 = tpu.memref_slice %dma_wait3A_40[%mul3A_27, %dma_wait3A_41] : memref<10240x128xf32, #tpu.memory_space<hbm>> -> memref<640x128xf32, #tpu.memory_space<hbm>>
      %dma_wait3A_43 = arith.constant 0 : i32
      %dma_wait3A_44 = tpu.memref_slice %arg7[%mul3A_25, %dma_wait3A_43] : memref<10240x128xf32, #tpu.memory_space<vmem_shared>> -> memref<640x128xf32, #tpu.memory_space<vmem_shared>>
      tpu.wait_dma2 semaphore(%run_scoped3A_28 : memref<!tpu.dma_semaphore, #tpu.memory_space<semaphore_mem>>) src(%dma_wait3A_44 : memref<640x128xf32, #tpu.memory_space<vmem_shared>>) dst(%dma_wait3A_42 : memref<640x128xf32, #tpu.memory_space<hbm>>)
      tpu.yield
    }) : () -> ()
    return
  }
}

#map = affine_map<(d0, d1) -> (0, 0)>
#map1 = affine_map<(d0, d1) -> (0, 0, 0)>
#map2 = affine_map<(d0, d1) -> (0)>
module attributes {stable_mosaic.version = 14 : i64} {
  func.func @_sc_body(%arg0: i32, %arg1: i32, %arg2: memref<10000x128xf32, #tpu.memory_space<hbm>>, %arg3: memref<32x10000xi32, #tpu.memory_space<hbm>>, %arg4: memref<32x125x80xi32, #tpu.memory_space<hbm>>, %arg5: memref<640x128xf32, #tpu.memory_space<hbm>>, %arg6: memref<640xf32, #tpu.memory_space<hbm>>, %arg7: memref<2x10240x128xf32, #tpu.memory_space<hbm>>, %arg8: memref<10240xf32, #tpu.memory_space<hbm>>, %arg9: memref<10240xf32, #tpu.memory_space<hbm>>, %arg10: memref<10240x128xf32, #tpu.memory_space<vmem_shared>>, %arg11: memref<10240xf32, #tpu.memory_space<vmem_shared>>, %arg12: memref<10000xi32, #tpu.memory_space<vmem>>, %arg13: memref<125x80xi32, #tpu.memory_space<vmem>>, %arg14: memref<80x128xf32, #tpu.memory_space<vmem>>, %arg15: memref<80x128xf32, #tpu.memory_space<vmem>>, %arg16: memref<80xf32, #tpu.memory_space<vmem>>, %arg17: memref<2x!tpu.dma_semaphore, #tpu.memory_space<semaphore_mem>>) attributes {dimension_semantics = [#tpu.dimension_semantics<core_parallel>, #tpu.dimension_semantics<subcore_parallel>], iteration_bounds = array<i64: 2, 16>, scalar_prefetch = 0 : i64, scratch_operands = 8 : i64, tpu.core_type = #tpu.core_type<sc_vector_subcore>, window_params = [{transform_indices = #map}, {transform_indices = #map}, {transform_indices = #map1}, {transform_indices = #map}, {transform_indices = #map2}, {transform_indices = #map1}, {transform_indices = #map2}, {transform_indices = #map2}]} {
    %mul3A = arith.constant 16 : i32
    %mul3A_0 = arith.muli %arg0, %mul3A : i32
    %add3A = arith.addi %mul3A_0, %arg1 : i32
    %mul3A_1 = arith.constant 640 : i32
    %mul3A_2 = arith.muli %arg1, %mul3A_1 : i32
    "tpu.region"() ({
      %run_scoped3A_66 = tpu.sem_alloc : memref<!tpu.dma_semaphore, #tpu.memory_space<semaphore_mem>>
      %dma_start3A_67 = arith.constant 0 : i32
      %dma_start3A_68 = tpu.memref_slice %arg10[%mul3A_2, %dma_start3A_67] : memref<10240x128xf32, #tpu.memory_space<vmem_shared>> -> memref<640x128xf32, #tpu.memory_space<vmem_shared>>
      tpu.enqueue_dma source(%arg5 : memref<640x128xf32, #tpu.memory_space<hbm>>) target(%dma_start3A_68 : memref<640x128xf32, #tpu.memory_space<vmem_shared>>) target_semaphore(%run_scoped3A_66 : memref<!tpu.dma_semaphore, #tpu.memory_space<semaphore_mem>>)
      %dma_wait3A_69 = arith.constant 0 : i32
      %dma_wait3A_70 = tpu.memref_slice %arg10[%mul3A_2, %dma_wait3A_69] : memref<10240x128xf32, #tpu.memory_space<vmem_shared>> -> memref<640x128xf32, #tpu.memory_space<vmem_shared>>
      tpu.wait_dma2 semaphore(%run_scoped3A_66 : memref<!tpu.dma_semaphore, #tpu.memory_space<semaphore_mem>>) src(%arg5 : memref<640x128xf32, #tpu.memory_space<hbm>>) dst(%dma_wait3A_70 : memref<640x128xf32, #tpu.memory_space<vmem_shared>>)
      tpu.yield
    }) : () -> ()
    %mul3A_3 = arith.constant 640 : i32
    %mul3A_4 = arith.muli %arg1, %mul3A_3 : i32
    "tpu.region"() ({
      %run_scoped3A_66 = tpu.sem_alloc : memref<!tpu.dma_semaphore, #tpu.memory_space<semaphore_mem>>
      %dma_start3A_67 = tpu.memref_slice %arg11[%mul3A_4] : memref<10240xf32, #tpu.memory_space<vmem_shared>> -> memref<640xf32, #tpu.memory_space<vmem_shared>>
      tpu.enqueue_dma source(%arg6 : memref<640xf32, #tpu.memory_space<hbm>>) target(%dma_start3A_67 : memref<640xf32, #tpu.memory_space<vmem_shared>>) target_semaphore(%run_scoped3A_66 : memref<!tpu.dma_semaphore, #tpu.memory_space<semaphore_mem>>)
      %dma_wait3A_68 = tpu.memref_slice %arg11[%mul3A_4] : memref<10240xf32, #tpu.memory_space<vmem_shared>> -> memref<640xf32, #tpu.memory_space<vmem_shared>>
      tpu.wait_dma2 semaphore(%run_scoped3A_66 : memref<!tpu.dma_semaphore, #tpu.memory_space<semaphore_mem>>) src(%arg6 : memref<640xf32, #tpu.memory_space<hbm>>) dst(%dma_wait3A_68 : memref<640xf32, #tpu.memory_space<vmem_shared>>)
      tpu.yield
    }) : () -> ()
    "tpu.region"() ({
      %run_scoped3A_66 = tpu.sem_alloc : memref<!tpu.dma_semaphore, #tpu.memory_space<semaphore_mem>>
      %dma_start3A_67 = arith.constant 0 : i32
      %dma_start3A_68 = tpu.memref_slice %arg3[%add3A, %dma_start3A_67] : memref<32x10000xi32, #tpu.memory_space<hbm>> -> memref<1x10000xi32, #tpu.memory_space<hbm>>
      %dma_start3A_69 = tpu.memref_squeeze %dma_start3A_68 : memref<1x10000xi32, #tpu.memory_space<hbm>> -> memref<10000xi32, #tpu.memory_space<hbm>>
      %dma_start3A_70 = arith.constant 0 : i32
      %dma_start3A_71 = tpu.memref_slice %arg3[%add3A, %dma_start3A_70] : memref<32x10000xi32, #tpu.memory_space<hbm>> -> memref<1x10000xi32, #tpu.memory_space<hbm>>
      %dma_start3A_72 = tpu.memref_squeeze %dma_start3A_71 : memref<1x10000xi32, #tpu.memory_space<hbm>> -> memref<10000xi32, #tpu.memory_space<hbm>>
      tpu.enqueue_dma source(%dma_start3A_72 : memref<10000xi32, #tpu.memory_space<hbm>>) target(%arg12 : memref<10000xi32, #tpu.memory_space<vmem>>) target_semaphore(%run_scoped3A_66 : memref<!tpu.dma_semaphore, #tpu.memory_space<semaphore_mem>>)
      %dma_wait3A_73 = arith.constant 0 : i32
      %dma_wait3A_74 = tpu.memref_slice %arg3[%add3A, %dma_wait3A_73] : memref<32x10000xi32, #tpu.memory_space<hbm>> -> memref<1x10000xi32, #tpu.memory_space<hbm>>
      %dma_wait3A_75 = tpu.memref_squeeze %dma_wait3A_74 : memref<1x10000xi32, #tpu.memory_space<hbm>> -> memref<10000xi32, #tpu.memory_space<hbm>>
      %dma_wait3A_76 = arith.constant 0 : i32
      %dma_wait3A_77 = tpu.memref_slice %arg3[%add3A, %dma_wait3A_76] : memref<32x10000xi32, #tpu.memory_space<hbm>> -> memref<1x10000xi32, #tpu.memory_space<hbm>>
      %dma_wait3A_78 = tpu.memref_squeeze %dma_wait3A_77 : memref<1x10000xi32, #tpu.memory_space<hbm>> -> memref<10000xi32, #tpu.memory_space<hbm>>
      tpu.wait_dma2 semaphore(%run_scoped3A_66 : memref<!tpu.dma_semaphore, #tpu.memory_space<semaphore_mem>>) src(%dma_wait3A_78 : memref<10000xi32, #tpu.memory_space<hbm>>) dst(%arg12 : memref<10000xi32, #tpu.memory_space<vmem>>)
      tpu.yield
    }) : () -> ()
    "tpu.region"() ({
      %run_scoped3A_66 = tpu.sem_alloc : memref<!tpu.dma_semaphore, #tpu.memory_space<semaphore_mem>>
      %dma_start3A_67 = arith.constant 0 : i32
      %dma_start3A_68 = arith.constant 0 : i32
      %dma_start3A_69 = tpu.memref_slice %arg4[%add3A, %dma_start3A_67, %dma_start3A_68] : memref<32x125x80xi32, #tpu.memory_space<hbm>> -> memref<1x125x80xi32, #tpu.memory_space<hbm>>
      %dma_start3A_70 = tpu.memref_squeeze %dma_start3A_69 : memref<1x125x80xi32, #tpu.memory_space<hbm>> -> memref<125x80xi32, #tpu.memory_space<hbm>>
      %dma_start3A_71 = arith.constant 0 : i32
      %dma_start3A_72 = arith.constant 0 : i32
      %dma_start3A_73 = tpu.memref_slice %arg4[%add3A, %dma_start3A_71, %dma_start3A_72] : memref<32x125x80xi32, #tpu.memory_space<hbm>> -> memref<1x125x80xi32, #tpu.memory_space<hbm>>
      %dma_start3A_74 = tpu.memref_squeeze %dma_start3A_73 : memref<1x125x80xi32, #tpu.memory_space<hbm>> -> memref<125x80xi32, #tpu.memory_space<hbm>>
      tpu.enqueue_dma source(%dma_start3A_74 : memref<125x80xi32, #tpu.memory_space<hbm>>) target(%arg13 : memref<125x80xi32, #tpu.memory_space<vmem>>) target_semaphore(%run_scoped3A_66 : memref<!tpu.dma_semaphore, #tpu.memory_space<semaphore_mem>>)
      %dma_wait3A_75 = arith.constant 0 : i32
      %dma_wait3A_76 = arith.constant 0 : i32
      %dma_wait3A_77 = tpu.memref_slice %arg4[%add3A, %dma_wait3A_75, %dma_wait3A_76] : memref<32x125x80xi32, #tpu.memory_space<hbm>> -> memref<1x125x80xi32, #tpu.memory_space<hbm>>
      %dma_wait3A_78 = tpu.memref_squeeze %dma_wait3A_77 : memref<1x125x80xi32, #tpu.memory_space<hbm>> -> memref<125x80xi32, #tpu.memory_space<hbm>>
      %dma_wait3A_79 = arith.constant 0 : i32
      %dma_wait3A_80 = arith.constant 0 : i32
      %dma_wait3A_81 = tpu.memref_slice %arg4[%add3A, %dma_wait3A_79, %dma_wait3A_80] : memref<32x125x80xi32, #tpu.memory_space<hbm>> -> memref<1x125x80xi32, #tpu.memory_space<hbm>>
      %dma_wait3A_82 = tpu.memref_squeeze %dma_wait3A_81 : memref<1x125x80xi32, #tpu.memory_space<hbm>> -> memref<125x80xi32, #tpu.memory_space<hbm>>
      tpu.wait_dma2 semaphore(%run_scoped3A_66 : memref<!tpu.dma_semaphore, #tpu.memory_space<semaphore_mem>>) src(%dma_wait3A_82 : memref<125x80xi32, #tpu.memory_space<hbm>>) dst(%arg13 : memref<125x80xi32, #tpu.memory_space<vmem>>)
      tpu.yield
    }) : () -> ()
    %broadcast_in_dim3A = arith.constant 1.000000e+00 : f32
    %broadcast_in_dim3A_5 = vector.broadcast %broadcast_in_dim3A : f32 to vector<16xf32>
    %swap3A = arith.constant 0 : index
    %swap3A_6 = tpu.vector_load %arg16[%swap3A] {strides = array<i32>} : memref<80xf32, #tpu.memory_space<vmem>>, vector<16xf32>,
    %swap3A_7 = vector.shape_cast %swap3A_6 : vector<16xf32> to vector<16xf32>
    %swap3A_8 = vector.shape_cast %broadcast_in_dim3A_5 : vector<16xf32> to vector<16xf32>
    tpu.vector_store %arg16[%swap3A], %swap3A_8 {strides = array<i32>} : memref<80xf32, #tpu.memory_space<vmem>>, vector<16xf32>,
    %broadcast_in_dim3A_9 = arith.constant 1.000000e+00 : f32
    %broadcast_in_dim3A_10 = vector.broadcast %broadcast_in_dim3A_9 : f32 to vector<16xf32>
    %swap3A_11 = arith.constant 16 : index
    %swap3A_12 = tpu.vector_load %arg16[%swap3A_11] {strides = array<i32>} : memref<80xf32, #tpu.memory_space<vmem>>, vector<16xf32>,
    %swap3A_13 = vector.shape_cast %swap3A_12 : vector<16xf32> to vector<16xf32>
    %swap3A_14 = vector.shape_cast %broadcast_in_dim3A_10 : vector<16xf32> to vector<16xf32>
    tpu.vector_store %arg16[%swap3A_11], %swap3A_14 {strides = array<i32>} : memref<80xf32, #tpu.memory_space<vmem>>, vector<16xf32>,
    %broadcast_in_dim3A_15 = arith.constant 1.000000e+00 : f32
    %broadcast_in_dim3A_16 = vector.broadcast %broadcast_in_dim3A_15 : f32 to vector<16xf32>
    %swap3A_17 = arith.constant 32 : index
    %swap3A_18 = tpu.vector_load %arg16[%swap3A_17] {strides = array<i32>} : memref<80xf32, #tpu.memory_space<vmem>>, vector<16xf32>,
    %swap3A_19 = vector.shape_cast %swap3A_18 : vector<16xf32> to vector<16xf32>
    %swap3A_20 = vector.shape_cast %broadcast_in_dim3A_16 : vector<16xf32> to vector<16xf32>
    tpu.vector_store %arg16[%swap3A_17], %swap3A_20 {strides = array<i32>} : memref<80xf32, #tpu.memory_space<vmem>>, vector<16xf32>,
    %broadcast_in_dim3A_21 = arith.constant 1.000000e+00 : f32
    %broadcast_in_dim3A_22 = vector.broadcast %broadcast_in_dim3A_21 : f32 to vector<16xf32>
    %swap3A_23 = arith.constant 48 : index
    %swap3A_24 = tpu.vector_load %arg16[%swap3A_23] {strides = array<i32>} : memref<80xf32, #tpu.memory_space<vmem>>, vector<16xf32>,
    %swap3A_25 = vector.shape_cast %swap3A_24 : vector<16xf32> to vector<16xf32>
    %swap3A_26 = vector.shape_cast %broadcast_in_dim3A_22 : vector<16xf32> to vector<16xf32>
    tpu.vector_store %arg16[%swap3A_23], %swap3A_26 {strides = array<i32>} : memref<80xf32, #tpu.memory_space<vmem>>, vector<16xf32>,
    %broadcast_in_dim3A_27 = arith.constant 1.000000e+00 : f32
    %broadcast_in_dim3A_28 = vector.broadcast %broadcast_in_dim3A_27 : f32 to vector<16xf32>
    %swap3A_29 = arith.constant 64 : index
    %swap3A_30 = tpu.vector_load %arg16[%swap3A_29] {strides = array<i32>} : memref<80xf32, #tpu.memory_space<vmem>>, vector<16xf32>,
    %swap3A_31 = vector.shape_cast %swap3A_30 : vector<16xf32> to vector<16xf32>
    %swap3A_32 = vector.shape_cast %broadcast_in_dim3A_28 : vector<16xf32> to vector<16xf32>
    tpu.vector_store %arg16[%swap3A_29], %swap3A_32 {strides = array<i32>} : memref<80xf32, #tpu.memory_space<vmem>>, vector<16xf32>,
    %barrier3A = arith.constant 0 : index
    tpu.barrier barrier_id(%barrier3A)
    %dma_start3A = arith.constant 0 : i32
    %dma_start3A_33 = arith.constant 0 : i32
    %dma_start3A_34 = tpu.memref_slice %arg12[%dma_start3A_33] : memref<10000xi32, #tpu.memory_space<vmem>> -> memref<80xi32, #tpu.memory_space<vmem>>
    %dma_start3A_35 = arith.constant 0 : i32
    %dma_start3A_36 = arith.constant 0 : i32
    %dma_start3A_37 = tpu.memref_slice %arg2[%dma_start3A_35, %dma_start3A_36] : memref<10000x128xf32, #tpu.memory_space<hbm>> -> memref<10000x128xf32, #tpu.memory_space<hbm>>
    %dma_start3A_38 = tpu.memref_slice %arg17[%dma_start3A] : memref<2x!tpu.dma_semaphore, #tpu.memory_space<semaphore_mem>> -> memref<1x!tpu.dma_semaphore, #tpu.memory_space<semaphore_mem>>
    %dma_start3A_39 = tpu.memref_squeeze %dma_start3A_38 : memref<1x!tpu.dma_semaphore, #tpu.memory_space<semaphore_mem>> -> memref<!tpu.dma_semaphore, #tpu.memory_space<semaphore_mem>>
    tpu.enqueue_indirect_dma source(%dma_start3A_37 : memref<10000x128xf32, #tpu.memory_space<hbm>>) target(%arg14 : memref<80x128xf32, #tpu.memory_space<vmem>>) offsets(%dma_start3A_34 : memref<80xi32, #tpu.memory_space<vmem>>) semaphore(%dma_start3A_39 : memref<!tpu.dma_semaphore, #tpu.memory_space<semaphore_mem>>)
    %scan3A = arith.constant 0 : i32
    %scan3A_40 = arith.constant 0 : i32
    %scan3A_41 = arith.constant 62 : i32
    %scan3A_42 = arith.addi %scan3A_40, %scan3A_41 : i32
    %scan3A_43 = arith.constant 1 : i32
    %scan3A_44 = scf.for %scan3A_66 = %scan3A_40 to %scan3A_42 step %scan3A_43 iter_args(%scan3A_67 = %scan3A) -> (i32)  : i32 {
      %mul3A_68 = arith.constant 2 : i32
      %mul3A_69 = arith.muli %mul3A_68, %scan3A_66 : i32
      %add3A_70 = arith.constant 1 : i32
      %add3A_71 = arith.addi %mul3A_69, %add3A_70 : i32
      %mul3A_72 = arith.constant 80 : i32
      %mul3A_73 = arith.muli %add3A_71, %mul3A_72 : i32
      %dma_start3A_74 = arith.constant 1 : i32
      %dma_start3A_75 = tpu.memref_slice %arg12[%mul3A_73] : memref<10000xi32, #tpu.memory_space<vmem>> -> memref<80xi32, #tpu.memory_space<vmem>>
      %dma_start3A_76 = arith.constant 0 : i32
      %dma_start3A_77 = arith.constant 0 : i32
      %dma_start3A_78 = tpu.memref_slice %arg2[%dma_start3A_76, %dma_start3A_77] : memref<10000x128xf32, #tpu.memory_space<hbm>> -> memref<10000x128xf32, #tpu.memory_space<hbm>>
      %dma_start3A_79 = tpu.memref_slice %arg17[%dma_start3A_74] : memref<2x!tpu.dma_semaphore, #tpu.memory_space<semaphore_mem>> -> memref<1x!tpu.dma_semaphore, #tpu.memory_space<semaphore_mem>>
      %dma_start3A_80 = tpu.memref_squeeze %dma_start3A_79 : memref<1x!tpu.dma_semaphore, #tpu.memory_space<semaphore_mem>> -> memref<!tpu.dma_semaphore, #tpu.memory_space<semaphore_mem>>
      tpu.enqueue_indirect_dma source(%dma_start3A_78 : memref<10000x128xf32, #tpu.memory_space<hbm>>) target(%arg15 : memref<80x128xf32, #tpu.memory_space<vmem>>) offsets(%dma_start3A_75 : memref<80xi32, #tpu.memory_space<vmem>>) semaphore(%dma_start3A_80 : memref<!tpu.dma_semaphore, #tpu.memory_space<semaphore_mem>>)
      %dma_wait3A_81 = arith.constant 0 : i32
      %dma_wait3A_82 = arith.constant 0 : i32
      %dma_wait3A_83 = tpu.memref_slice %arg12[%dma_wait3A_82] : memref<10000xi32, #tpu.memory_space<vmem>> -> memref<80xi32, #tpu.memory_space<vmem>>
      %dma_wait3A_84 = arith.constant 0 : i32
      %dma_wait3A_85 = arith.constant 0 : i32
      %dma_wait3A_86 = tpu.memref_slice %arg2[%dma_wait3A_84, %dma_wait3A_85] : memref<10000x128xf32, #tpu.memory_space<hbm>> -> memref<10000x128xf32, #tpu.memory_space<hbm>>
      %dma_wait3A_87 = tpu.memref_slice %arg17[%dma_wait3A_81] : memref<2x!tpu.dma_semaphore, #tpu.memory_space<semaphore_mem>> -> memref<1x!tpu.dma_semaphore, #tpu.memory_space<semaphore_mem>>
      %dma_wait3A_88 = tpu.memref_squeeze %dma_wait3A_87 : memref<1x!tpu.dma_semaphore, #tpu.memory_space<semaphore_mem>> -> memref<!tpu.dma_semaphore, #tpu.memory_space<semaphore_mem>>
      tpu.wait_indirect_dma semaphore(%dma_wait3A_88 : memref<!tpu.dma_semaphore, #tpu.memory_space<semaphore_mem>>) src(%dma_wait3A_86 : memref<10000x128xf32, #tpu.memory_space<hbm>>) dst(%arg14 : memref<80x128xf32, #tpu.memory_space<vmem>>)
      "tpu.region"() ({
        %run_scoped3A_106 = tpu.sem_alloc : memref<!tpu.dma_semaphore, #tpu.memory_space<semaphore_mem>>
        %dma_start3A_107 = arith.constant 0 : i32
        %dma_start3A_108 = tpu.memref_slice %arg13[%mul3A_69, %dma_start3A_107] : memref<125x80xi32, #tpu.memory_space<vmem>> -> memref<1x80xi32, #tpu.memory_space<vmem>>
        %dma_start3A_109 = tpu.memref_squeeze %dma_start3A_108 : memref<1x80xi32, #tpu.memory_space<vmem>> -> memref<80xi32, #tpu.memory_space<vmem>>
        %dma_start3A_110 = arith.constant 0 : i32
        %dma_start3A_111 = arith.constant 0 : i32
        %dma_start3A_112 = tpu.memref_slice %arg10[%dma_start3A_110, %dma_start3A_111] : memref<10240x128xf32, #tpu.memory_space<vmem_shared>> -> memref<10240x128xf32, #tpu.memory_space<vmem_shared>>
        tpu.enqueue_indirect_dma source(%arg14 : memref<80x128xf32, #tpu.memory_space<vmem>>) target(%dma_start3A_112 : memref<10240x128xf32, #tpu.memory_space<vmem_shared>>) offsets(%dma_start3A_109 : memref<80xi32, #tpu.memory_space<vmem>>) semaphore(%run_scoped3A_106 : memref<!tpu.dma_semaphore, #tpu.memory_space<semaphore_mem>>) {add = true}
        %dma_wait3A_113 = arith.constant 0 : i32
        %dma_wait3A_114 = tpu.memref_slice %arg13[%mul3A_69, %dma_wait3A_113] : memref<125x80xi32, #tpu.memory_space<vmem>> -> memref<1x80xi32, #tpu.memory_space<vmem>>
        %dma_wait3A_115 = tpu.memref_squeeze %dma_wait3A_114 : memref<1x80xi32, #tpu.memory_space<vmem>> -> memref<80xi32, #tpu.memory_space<vmem>>
        %dma_wait3A_116 = arith.constant 0 : i32
        %dma_wait3A_117 = arith.constant 0 : i32
        %dma_wait3A_118 = tpu.memref_slice %arg10[%dma_wait3A_116, %dma_wait3A_117] : memref<10240x128xf32, #tpu.memory_space<vmem_shared>> -> memref<10240x128xf32, #tpu.memory_space<vmem_shared>>
        tpu.wait_indirect_dma semaphore(%run_scoped3A_106 : memref<!tpu.dma_semaphore, #tpu.memory_space<semaphore_mem>>) src(%arg14 : memref<80x128xf32, #tpu.memory_space<vmem>>) dst(%dma_wait3A_118 : memref<10240x128xf32, #tpu.memory_space<vmem_shared>>)
        tpu.yield
      }) : () -> ()
      "tpu.region"() ({
        %run_scoped3A_106 = tpu.sem_alloc : memref<!tpu.dma_semaphore, #tpu.memory_space<semaphore_mem>>
        %dma_start3A_107 = arith.constant 0 : i32
        %dma_start3A_108 = tpu.memref_slice %arg13[%mul3A_69, %dma_start3A_107] : memref<125x80xi32, #tpu.memory_space<vmem>> -> memref<1x80xi32, #tpu.memory_space<vmem>>
        %dma_start3A_109 = tpu.memref_squeeze %dma_start3A_108 : memref<1x80xi32, #tpu.memory_space<vmem>> -> memref<80xi32, #tpu.memory_space<vmem>>
        %dma_start3A_110 = arith.constant 0 : i32
        %dma_start3A_111 = tpu.memref_slice %arg11[%dma_start3A_110] : memref<10240xf32, #tpu.memory_space<vmem_shared>> -> memref<10240xf32, #tpu.memory_space<vmem_shared>>
        tpu.enqueue_indirect_dma source(%arg16 : memref<80xf32, #tpu.memory_space<vmem>>) target(%dma_start3A_111 : memref<10240xf32, #tpu.memory_space<vmem_shared>>) offsets(%dma_start3A_109 : memref<80xi32, #tpu.memory_space<vmem>>) semaphore(%run_scoped3A_106 : memref<!tpu.dma_semaphore, #tpu.memory_space<semaphore_mem>>) {add = true}
        %dma_wait3A_112 = arith.constant 0 : i32
        %dma_wait3A_113 = tpu.memref_slice %arg13[%mul3A_69, %dma_wait3A_112] : memref<125x80xi32, #tpu.memory_space<vmem>> -> memref<1x80xi32, #tpu.memory_space<vmem>>
        %dma_wait3A_114 = tpu.memref_squeeze %dma_wait3A_113 : memref<1x80xi32, #tpu.memory_space<vmem>> -> memref<80xi32, #tpu.memory_space<vmem>>
        %dma_wait3A_115 = arith.constant 0 : i32
        %dma_wait3A_116 = tpu.memref_slice %arg11[%dma_wait3A_115] : memref<10240xf32, #tpu.memory_space<vmem_shared>> -> memref<10240xf32, #tpu.memory_space<vmem_shared>>
        tpu.wait_indirect_dma semaphore(%run_scoped3A_106 : memref<!tpu.dma_semaphore, #tpu.memory_space<semaphore_mem>>) src(%arg16 : memref<80xf32, #tpu.memory_space<vmem>>) dst(%dma_wait3A_116 : memref<10240xf32, #tpu.memory_space<vmem_shared>>)
        tpu.yield
      }) : () -> ()
      %add3A_89 = arith.constant 2 : i32
      %add3A_90 = arith.addi %mul3A_69, %add3A_89 : i32
      %lt3A = arith.constant 125 : i32
      %lt3A_91 = arith.cmpi slt, %add3A_90, %lt3A : i32
      %convert_element_type3A_92 = arith.extui %lt3A_91 : i1 to i32
      %cond3A_93 = arith.constant 0 : i32
      %cond3A_94 = arith.cmpi ne, %convert_element_type3A_92, %cond3A_93 : i32
      scf.if %cond3A_94 {
        %add3A_106 = arith.constant 2 : i32
        %add3A_107 = arith.addi %mul3A_69, %add3A_106 : i32
        %mul3A_108 = arith.constant 80 : i32
        %mul3A_109 = arith.muli %add3A_107, %mul3A_108 : i32
        %dma_start3A_110 = arith.constant 0 : i32
        %dma_start3A_111 = tpu.memref_slice %arg12[%mul3A_109] : memref<10000xi32, #tpu.memory_space<vmem>> -> memref<80xi32, #tpu.memory_space<vmem>>
        %dma_start3A_112 = arith.constant 0 : i32
        %dma_start3A_113 = arith.constant 0 : i32
        %dma_start3A_114 = tpu.memref_slice %arg2[%dma_start3A_112, %dma_start3A_113] : memref<10000x128xf32, #tpu.memory_space<hbm>> -> memref<10000x128xf32, #tpu.memory_space<hbm>>
        %dma_start3A_115 = tpu.memref_slice %arg17[%dma_start3A_110] : memref<2x!tpu.dma_semaphore, #tpu.memory_space<semaphore_mem>> -> memref<1x!tpu.dma_semaphore, #tpu.memory_space<semaphore_mem>>
        %dma_start3A_116 = tpu.memref_squeeze %dma_start3A_115 : memref<1x!tpu.dma_semaphore, #tpu.memory_space<semaphore_mem>> -> memref<!tpu.dma_semaphore, #tpu.memory_space<semaphore_mem>>
        tpu.enqueue_indirect_dma source(%dma_start3A_114 : memref<10000x128xf32, #tpu.memory_space<hbm>>) target(%arg14 : memref<80x128xf32, #tpu.memory_space<vmem>>) offsets(%dma_start3A_111 : memref<80xi32, #tpu.memory_space<vmem>>) semaphore(%dma_start3A_116 : memref<!tpu.dma_semaphore, #tpu.memory_space<semaphore_mem>>)
      } else {
      }
      %dma_wait3A_95 = arith.constant 1 : i32
      %dma_wait3A_96 = arith.constant 0 : i32
      %dma_wait3A_97 = tpu.memref_slice %arg12[%dma_wait3A_96] : memref<10000xi32, #tpu.memory_space<vmem>> -> memref<80xi32, #tpu.memory_space<vmem>>
      %dma_wait3A_98 = arith.constant 0 : i32
      %dma_wait3A_99 = arith.constant 0 : i32
      %dma_wait3A_100 = tpu.memref_slice %arg2[%dma_wait3A_98, %dma_wait3A_99] : memref<10000x128xf32, #tpu.memory_space<hbm>> -> memref<10000x128xf32, #tpu.memory_space<hbm>>
      %dma_wait3A_101 = tpu.memref_slice %arg17[%dma_wait3A_95] : memref<2x!tpu.dma_semaphore, #tpu.memory_space<semaphore_mem>> -> memref<1x!tpu.dma_semaphore, #tpu.memory_space<semaphore_mem>>
      %dma_wait3A_102 = tpu.memref_squeeze %dma_wait3A_101 : memref<1x!tpu.dma_semaphore, #tpu.memory_space<semaphore_mem>> -> memref<!tpu.dma_semaphore, #tpu.memory_space<semaphore_mem>>
      tpu.wait_indirect_dma semaphore(%dma_wait3A_102 : memref<!tpu.dma_semaphore, #tpu.memory_space<semaphore_mem>>) src(%dma_wait3A_100 : memref<10000x128xf32, #tpu.memory_space<hbm>>) dst(%arg15 : memref<80x128xf32, #tpu.memory_space<vmem>>)
      %add3A_103 = arith.constant 1 : i32
      %add3A_104 = arith.addi %mul3A_69, %add3A_103 : i32
      "tpu.region"() ({
        %run_scoped3A_106 = tpu.sem_alloc : memref<!tpu.dma_semaphore, #tpu.memory_space<semaphore_mem>>
        %dma_start3A_107 = arith.constant 0 : i32
        %dma_start3A_108 = tpu.memref_slice %arg13[%add3A_104, %dma_start3A_107] : memref<125x80xi32, #tpu.memory_space<vmem>> -> memref<1x80xi32, #tpu.memory_space<vmem>>
        %dma_start3A_109 = tpu.memref_squeeze %dma_start3A_108 : memref<1x80xi32, #tpu.memory_space<vmem>> -> memref<80xi32, #tpu.memory_space<vmem>>
        %dma_start3A_110 = arith.constant 0 : i32
        %dma_start3A_111 = arith.constant 0 : i32
        %dma_start3A_112 = tpu.memref_slice %arg10[%dma_start3A_110, %dma_start3A_111] : memref<10240x128xf32, #tpu.memory_space<vmem_shared>> -> memref<10240x128xf32, #tpu.memory_space<vmem_shared>>
        tpu.enqueue_indirect_dma source(%arg15 : memref<80x128xf32, #tpu.memory_space<vmem>>) target(%dma_start3A_112 : memref<10240x128xf32, #tpu.memory_space<vmem_shared>>) offsets(%dma_start3A_109 : memref<80xi32, #tpu.memory_space<vmem>>) semaphore(%run_scoped3A_106 : memref<!tpu.dma_semaphore, #tpu.memory_space<semaphore_mem>>) {add = true}
        %dma_wait3A_113 = arith.constant 0 : i32
        %dma_wait3A_114 = tpu.memref_slice %arg13[%add3A_104, %dma_wait3A_113] : memref<125x80xi32, #tpu.memory_space<vmem>> -> memref<1x80xi32, #tpu.memory_space<vmem>>
        %dma_wait3A_115 = tpu.memref_squeeze %dma_wait3A_114 : memref<1x80xi32, #tpu.memory_space<vmem>> -> memref<80xi32, #tpu.memory_space<vmem>>
        %dma_wait3A_116 = arith.constant 0 : i32
        %dma_wait3A_117 = arith.constant 0 : i32
        %dma_wait3A_118 = tpu.memref_slice %arg10[%dma_wait3A_116, %dma_wait3A_117] : memref<10240x128xf32, #tpu.memory_space<vmem_shared>> -> memref<10240x128xf32, #tpu.memory_space<vmem_shared>>
        tpu.wait_indirect_dma semaphore(%run_scoped3A_106 : memref<!tpu.dma_semaphore, #tpu.memory_space<semaphore_mem>>) src(%arg15 : memref<80x128xf32, #tpu.memory_space<vmem>>) dst(%dma_wait3A_118 : memref<10240x128xf32, #tpu.memory_space<vmem_shared>>)
        tpu.yield
      }) : () -> ()
      "tpu.region"() ({
        %run_scoped3A_106 = tpu.sem_alloc : memref<!tpu.dma_semaphore, #tpu.memory_space<semaphore_mem>>
        %dma_start3A_107 = arith.constant 0 : i32
        %dma_start3A_108 = tpu.memref_slice %arg13[%add3A_104, %dma_start3A_107] : memref<125x80xi32, #tpu.memory_space<vmem>> -> memref<1x80xi32, #tpu.memory_space<vmem>>
        %dma_start3A_109 = tpu.memref_squeeze %dma_start3A_108 : memref<1x80xi32, #tpu.memory_space<vmem>> -> memref<80xi32, #tpu.memory_space<vmem>>
        %dma_start3A_110 = arith.constant 0 : i32
        %dma_start3A_111 = tpu.memref_slice %arg11[%dma_start3A_110] : memref<10240xf32, #tpu.memory_space<vmem_shared>> -> memref<10240xf32, #tpu.memory_space<vmem_shared>>
        tpu.enqueue_indirect_dma source(%arg16 : memref<80xf32, #tpu.memory_space<vmem>>) target(%dma_start3A_111 : memref<10240xf32, #tpu.memory_space<vmem_shared>>) offsets(%dma_start3A_109 : memref<80xi32, #tpu.memory_space<vmem>>) semaphore(%run_scoped3A_106 : memref<!tpu.dma_semaphore, #tpu.memory_space<semaphore_mem>>) {add = true}
        %dma_wait3A_112 = arith.constant 0 : i32
        %dma_wait3A_113 = tpu.memref_slice %arg13[%add3A_104, %dma_wait3A_112] : memref<125x80xi32, #tpu.memory_space<vmem>> -> memref<1x80xi32, #tpu.memory_space<vmem>>
        %dma_wait3A_114 = tpu.memref_squeeze %dma_wait3A_113 : memref<1x80xi32, #tpu.memory_space<vmem>> -> memref<80xi32, #tpu.memory_space<vmem>>
        %dma_wait3A_115 = arith.constant 0 : i32
        %dma_wait3A_116 = tpu.memref_slice %arg11[%dma_wait3A_115] : memref<10240xf32, #tpu.memory_space<vmem_shared>> -> memref<10240xf32, #tpu.memory_space<vmem_shared>>
        tpu.wait_indirect_dma semaphore(%run_scoped3A_106 : memref<!tpu.dma_semaphore, #tpu.memory_space<semaphore_mem>>) src(%arg16 : memref<80xf32, #tpu.memory_space<vmem>>) dst(%dma_wait3A_116 : memref<10240xf32, #tpu.memory_space<vmem_shared>>)
        tpu.yield
      }) : () -> ()
      %scan3A_105 = arith.constant 0 : i32
      scf.yield %scan3A_105 : i32
    }
    %scan3A_45 = arith.constant 62 : i32
    %dma_wait3A = arith.constant 0 : i32
    %dma_wait3A_46 = arith.constant 0 : i32
    %dma_wait3A_47 = tpu.memref_slice %arg12[%dma_wait3A_46] : memref<10000xi32, #tpu.memory_space<vmem>> -> memref<80xi32, #tpu.memory_space<vmem>>
    %dma_wait3A_48 = arith.constant 0 : i32
    %dma_wait3A_49 = arith.constant 0 : i32
    %dma_wait3A_50 = tpu.memref_slice %arg2[%dma_wait3A_48, %dma_wait3A_49] : memref<10000x128xf32, #tpu.memory_space<hbm>> -> memref<10000x128xf32, #tpu.memory_space<hbm>>
    %dma_wait3A_51 = tpu.memref_slice %arg17[%dma_wait3A] : memref<2x!tpu.dma_semaphore, #tpu.memory_space<semaphore_mem>> -> memref<1x!tpu.dma_semaphore, #tpu.memory_space<semaphore_mem>>
    %dma_wait3A_52 = tpu.memref_squeeze %dma_wait3A_51 : memref<1x!tpu.dma_semaphore, #tpu.memory_space<semaphore_mem>> -> memref<!tpu.dma_semaphore, #tpu.memory_space<semaphore_mem>>
    tpu.wait_indirect_dma semaphore(%dma_wait3A_52 : memref<!tpu.dma_semaphore, #tpu.memory_space<semaphore_mem>>) src(%dma_wait3A_50 : memref<10000x128xf32, #tpu.memory_space<hbm>>) dst(%arg14 : memref<80x128xf32, #tpu.memory_space<vmem>>)
    %run_scoped3A = arith.constant 124 : i32
    "tpu.region"() ({
      %run_scoped3A_66 = tpu.sem_alloc : memref<!tpu.dma_semaphore, #tpu.memory_space<semaphore_mem>>
      %dma_start3A_67 = arith.constant 0 : i32
      %dma_start3A_68 = tpu.memref_slice %arg13[%run_scoped3A, %dma_start3A_67] : memref<125x80xi32, #tpu.memory_space<vmem>> -> memref<1x80xi32, #tpu.memory_space<vmem>>
      %dma_start3A_69 = tpu.memref_squeeze %dma_start3A_68 : memref<1x80xi32, #tpu.memory_space<vmem>> -> memref<80xi32, #tpu.memory_space<vmem>>
      %dma_start3A_70 = arith.constant 0 : i32
      %dma_start3A_71 = arith.constant 0 : i32
      %dma_start3A_72 = tpu.memref_slice %arg10[%dma_start3A_70, %dma_start3A_71] : memref<10240x128xf32, #tpu.memory_space<vmem_shared>> -> memref<10240x128xf32, #tpu.memory_space<vmem_shared>>
      tpu.enqueue_indirect_dma source(%arg14 : memref<80x128xf32, #tpu.memory_space<vmem>>) target(%dma_start3A_72 : memref<10240x128xf32, #tpu.memory_space<vmem_shared>>) offsets(%dma_start3A_69 : memref<80xi32, #tpu.memory_space<vmem>>) semaphore(%run_scoped3A_66 : memref<!tpu.dma_semaphore, #tpu.memory_space<semaphore_mem>>) {add = true}
      %dma_wait3A_73 = arith.constant 0 : i32
      %dma_wait3A_74 = tpu.memref_slice %arg13[%run_scoped3A, %dma_wait3A_73] : memref<125x80xi32, #tpu.memory_space<vmem>> -> memref<1x80xi32, #tpu.memory_space<vmem>>
      %dma_wait3A_75 = tpu.memref_squeeze %dma_wait3A_74 : memref<1x80xi32, #tpu.memory_space<vmem>> -> memref<80xi32, #tpu.memory_space<vmem>>
      %dma_wait3A_76 = arith.constant 0 : i32
      %dma_wait3A_77 = arith.constant 0 : i32
      %dma_wait3A_78 = tpu.memref_slice %arg10[%dma_wait3A_76, %dma_wait3A_77] : memref<10240x128xf32, #tpu.memory_space<vmem_shared>> -> memref<10240x128xf32, #tpu.memory_space<vmem_shared>>
      tpu.wait_indirect_dma semaphore(%run_scoped3A_66 : memref<!tpu.dma_semaphore, #tpu.memory_space<semaphore_mem>>) src(%arg14 : memref<80x128xf32, #tpu.memory_space<vmem>>) dst(%dma_wait3A_78 : memref<10240x128xf32, #tpu.memory_space<vmem_shared>>)
      tpu.yield
    }) : () -> ()
    %run_scoped3A_53 = arith.constant 124 : i32
    "tpu.region"() ({
      %run_scoped3A_66 = tpu.sem_alloc : memref<!tpu.dma_semaphore, #tpu.memory_space<semaphore_mem>>
      %dma_start3A_67 = arith.constant 0 : i32
      %dma_start3A_68 = tpu.memref_slice %arg13[%run_scoped3A_53, %dma_start3A_67] : memref<125x80xi32, #tpu.memory_space<vmem>> -> memref<1x80xi32, #tpu.memory_space<vmem>>
      %dma_start3A_69 = tpu.memref_squeeze %dma_start3A_68 : memref<1x80xi32, #tpu.memory_space<vmem>> -> memref<80xi32, #tpu.memory_space<vmem>>
      %dma_start3A_70 = arith.constant 0 : i32
      %dma_start3A_71 = tpu.memref_slice %arg11[%dma_start3A_70] : memref<10240xf32, #tpu.memory_space<vmem_shared>> -> memref<10240xf32, #tpu.memory_space<vmem_shared>>
      tpu.enqueue_indirect_dma source(%arg16 : memref<80xf32, #tpu.memory_space<vmem>>) target(%dma_start3A_71 : memref<10240xf32, #tpu.memory_space<vmem_shared>>) offsets(%dma_start3A_69 : memref<80xi32, #tpu.memory_space<vmem>>) semaphore(%run_scoped3A_66 : memref<!tpu.dma_semaphore, #tpu.memory_space<semaphore_mem>>) {add = true}
      %dma_wait3A_72 = arith.constant 0 : i32
      %dma_wait3A_73 = tpu.memref_slice %arg13[%run_scoped3A_53, %dma_wait3A_72] : memref<125x80xi32, #tpu.memory_space<vmem>> -> memref<1x80xi32, #tpu.memory_space<vmem>>
      %dma_wait3A_74 = tpu.memref_squeeze %dma_wait3A_73 : memref<1x80xi32, #tpu.memory_space<vmem>> -> memref<80xi32, #tpu.memory_space<vmem>>
      %dma_wait3A_75 = arith.constant 0 : i32
      %dma_wait3A_76 = tpu.memref_slice %arg11[%dma_wait3A_75] : memref<10240xf32, #tpu.memory_space<vmem_shared>> -> memref<10240xf32, #tpu.memory_space<vmem_shared>>
      tpu.wait_indirect_dma semaphore(%run_scoped3A_66 : memref<!tpu.dma_semaphore, #tpu.memory_space<semaphore_mem>>) src(%arg16 : memref<80xf32, #tpu.memory_space<vmem>>) dst(%dma_wait3A_76 : memref<10240xf32, #tpu.memory_space<vmem_shared>>)
      tpu.yield
    }) : () -> ()
    %barrier3A_54 = arith.constant 0 : index
    tpu.barrier barrier_id(%barrier3A_54)
    %mul3A_55 = arith.constant 640 : i32
    %mul3A_56 = arith.muli %arg1, %mul3A_55 : i32
    %mul3A_57 = arith.constant 640 : i32
    %mul3A_58 = arith.muli %arg1, %mul3A_57 : i32
    "tpu.region"() ({
      %run_scoped3A_66 = tpu.sem_alloc : memref<!tpu.dma_semaphore, #tpu.memory_space<semaphore_mem>>
      %dma_start3A_67 = arith.constant 0 : i32
      %dma_start3A_68 = arith.constant 0 : i32
      %dma_start3A_69 = tpu.memref_slice %arg7[%arg0, %dma_start3A_67, %dma_start3A_68] : memref<2x10240x128xf32, #tpu.memory_space<hbm>> -> memref<1x10240x128xf32, #tpu.memory_space<hbm>>
      %dma_start3A_70 = tpu.memref_squeeze %dma_start3A_69 : memref<1x10240x128xf32, #tpu.memory_space<hbm>> -> memref<10240x128xf32, #tpu.memory_space<hbm>>
      %dma_start3A_71 = arith.constant 0 : i32
      %dma_start3A_72 = tpu.memref_slice %dma_start3A_70[%mul3A_58, %dma_start3A_71] : memref<10240x128xf32, #tpu.memory_space<hbm>> -> memref<640x128xf32, #tpu.memory_space<hbm>>
      %dma_start3A_73 = arith.constant 0 : i32
      %dma_start3A_74 = tpu.memref_slice %arg10[%mul3A_56, %dma_start3A_73] : memref<10240x128xf32, #tpu.memory_space<vmem_shared>> -> memref<640x128xf32, #tpu.memory_space<vmem_shared>>
      tpu.enqueue_dma source(%dma_start3A_74 : memref<640x128xf32, #tpu.memory_space<vmem_shared>>) target(%dma_start3A_72 : memref<640x128xf32, #tpu.memory_space<hbm>>) target_semaphore(%run_scoped3A_66 : memref<!tpu.dma_semaphore, #tpu.memory_space<semaphore_mem>>)
      %dma_wait3A_75 = arith.constant 0 : i32
      %dma_wait3A_76 = arith.constant 0 : i32
      %dma_wait3A_77 = tpu.memref_slice %arg7[%arg0, %dma_wait3A_75, %dma_wait3A_76] : memref<2x10240x128xf32, #tpu.memory_space<hbm>> -> memref<1x10240x128xf32, #tpu.memory_space<hbm>>
      %dma_wait3A_78 = tpu.memref_squeeze %dma_wait3A_77 : memref<1x10240x128xf32, #tpu.memory_space<hbm>> -> memref<10240x128xf32, #tpu.memory_space<hbm>>
      %dma_wait3A_79 = arith.constant 0 : i32
      %dma_wait3A_80 = tpu.memref_slice %dma_wait3A_78[%mul3A_58, %dma_wait3A_79] : memref<10240x128xf32, #tpu.memory_space<hbm>> -> memref<640x128xf32, #tpu.memory_space<hbm>>
      %dma_wait3A_81 = arith.constant 0 : i32
      %dma_wait3A_82 = tpu.memref_slice %arg10[%mul3A_56, %dma_wait3A_81] : memref<10240x128xf32, #tpu.memory_space<vmem_shared>> -> memref<640x128xf32, #tpu.memory_space<vmem_shared>>
      tpu.wait_dma2 semaphore(%run_scoped3A_66 : memref<!tpu.dma_semaphore, #tpu.memory_space<semaphore_mem>>) src(%dma_wait3A_82 : memref<640x128xf32, #tpu.memory_space<vmem_shared>>) dst(%dma_wait3A_80 : memref<640x128xf32, #tpu.memory_space<hbm>>)
      tpu.yield
    }) : () -> ()
    %eq3A = arith.constant 0 : i32
    %eq3A_59 = arith.cmpi eq, %arg0, %eq3A : i32
    %convert_element_type3A = arith.extui %eq3A_59 : i1 to i32
    %cond3A = arith.constant 0 : i32
    %cond3A_60 = arith.cmpi ne, %convert_element_type3A, %cond3A : i32
    scf.if %cond3A_60 {
      %mul3A_66 = arith.constant 640 : i32
      %mul3A_67 = arith.muli %arg1, %mul3A_66 : i32
      %mul3A_68 = arith.constant 640 : i32
      %mul3A_69 = arith.muli %arg1, %mul3A_68 : i32
      "tpu.region"() ({
        %run_scoped3A_70 = tpu.sem_alloc : memref<!tpu.dma_semaphore, #tpu.memory_space<semaphore_mem>>
        %dma_start3A_71 = tpu.memref_slice %arg8[%mul3A_69] : memref<10240xf32, #tpu.memory_space<hbm>> -> memref<640xf32, #tpu.memory_space<hbm>>
        %dma_start3A_72 = tpu.memref_slice %arg11[%mul3A_67] : memref<10240xf32, #tpu.memory_space<vmem_shared>> -> memref<640xf32, #tpu.memory_space<vmem_shared>>
        tpu.enqueue_dma source(%dma_start3A_72 : memref<640xf32, #tpu.memory_space<vmem_shared>>) target(%dma_start3A_71 : memref<640xf32, #tpu.memory_space<hbm>>) target_semaphore(%run_scoped3A_70 : memref<!tpu.dma_semaphore, #tpu.memory_space<semaphore_mem>>)
        %dma_wait3A_73 = tpu.memref_slice %arg8[%mul3A_69] : memref<10240xf32, #tpu.memory_space<hbm>> -> memref<640xf32, #tpu.memory_space<hbm>>
        %dma_wait3A_74 = tpu.memref_slice %arg11[%mul3A_67] : memref<10240xf32, #tpu.memory_space<vmem_shared>> -> memref<640xf32, #tpu.memory_space<vmem_shared>>
        tpu.wait_dma2 semaphore(%run_scoped3A_70 : memref<!tpu.dma_semaphore, #tpu.memory_space<semaphore_mem>>) src(%dma_wait3A_74 : memref<640xf32, #tpu.memory_space<vmem_shared>>) dst(%dma_wait3A_73 : memref<640xf32, #tpu.memory_space<hbm>>)
        tpu.yield
      }) : () -> ()
    } else {
    }
    %eq3A_61 = arith.constant 1 : i32
    %eq3A_62 = arith.cmpi eq, %arg0, %eq3A_61 : i32
    %convert_element_type3A_63 = arith.extui %eq3A_62 : i1 to i32
    %cond3A_64 = arith.constant 0 : i32
    %cond3A_65 = arith.cmpi ne, %convert_element_type3A_63, %cond3A_64 : i32
    scf.if %cond3A_65 {
      %mul3A_66 = arith.constant 640 : i32
      %mul3A_67 = arith.muli %arg1, %mul3A_66 : i32
      %mul3A_68 = arith.constant 640 : i32
      %mul3A_69 = arith.muli %arg1, %mul3A_68 : i32
      "tpu.region"() ({
        %run_scoped3A_70 = tpu.sem_alloc : memref<!tpu.dma_semaphore, #tpu.memory_space<semaphore_mem>>
        %dma_start3A_71 = tpu.memref_slice %arg9[%mul3A_69] : memref<10240xf32, #tpu.memory_space<hbm>> -> memref<640xf32, #tpu.memory_space<hbm>>
        %dma_start3A_72 = tpu.memref_slice %arg11[%mul3A_67] : memref<10240xf32, #tpu.memory_space<vmem_shared>> -> memref<640xf32, #tpu.memory_space<vmem_shared>>
        tpu.enqueue_dma source(%dma_start3A_72 : memref<640xf32, #tpu.memory_space<vmem_shared>>) target(%dma_start3A_71 : memref<640xf32, #tpu.memory_space<hbm>>) target_semaphore(%run_scoped3A_70 : memref<!tpu.dma_semaphore, #tpu.memory_space<semaphore_mem>>)
        %dma_wait3A_73 = tpu.memref_slice %arg9[%mul3A_69] : memref<10240xf32, #tpu.memory_space<hbm>> -> memref<640xf32, #tpu.memory_space<hbm>>
        %dma_wait3A_74 = tpu.memref_slice %arg11[%mul3A_67] : memref<10240xf32, #tpu.memory_space<vmem_shared>> -> memref<640xf32, #tpu.memory_space<vmem_shared>>
        tpu.wait_dma2 semaphore(%run_scoped3A_70 : memref<!tpu.dma_semaphore, #tpu.memory_space<semaphore_mem>>) src(%dma_wait3A_74 : memref<640xf32, #tpu.memory_space<vmem_shared>>) dst(%dma_wait3A_73 : memref<640xf32, #tpu.memory_space<hbm>>)
        tpu.yield
      }) : () -> ()
    } else {
    }
    return
  }
}

#map = affine_map<(d0, d1) -> (0, 0)>
#map1 = affine_map<(d0, d1) -> (0, 0, 0)>
module attributes {stable_mosaic.version = 14 : i64} {
  func.func @_sc_body(%arg0: i32, %arg1: i32, %arg2: memref<10000x128xf32, #tpu.memory_space<hbm>>, %arg3: memref<32x10000xi32, #tpu.memory_space<hbm>>, %arg4: memref<32x125x80xi32, #tpu.memory_space<hbm>>, %arg5: memref<640x128xf32, #tpu.memory_space<hbm>>, %arg6: memref<2x10240x128xf32, #tpu.memory_space<hbm>>, %arg7: memref<10240x128xf32, #tpu.memory_space<vmem_shared>>, %arg8: memref<10000xi32, #tpu.memory_space<vmem>>, %arg9: memref<125x80xi32, #tpu.memory_space<vmem>>, %arg10: memref<80x128xf32, #tpu.memory_space<vmem>>, %arg11: memref<80x128xf32, #tpu.memory_space<vmem>>, %arg12: memref<2x!tpu.dma_semaphore, #tpu.memory_space<semaphore_mem>>) attributes {dimension_semantics = [#tpu.dimension_semantics<core_parallel>, #tpu.dimension_semantics<subcore_parallel>], iteration_bounds = array<i64: 2, 16>, scalar_prefetch = 0 : i64, scratch_operands = 6 : i64, tpu.core_type = #tpu.core_type<sc_vector_subcore>, window_params = [{transform_indices = #map}, {transform_indices = #map}, {transform_indices = #map1}, {transform_indices = #map}, {transform_indices = #map1}]} {
    %mul3A = arith.constant 16 : i32
    %mul3A_0 = arith.muli %arg0, %mul3A : i32
    %add3A = arith.addi %mul3A_0, %arg1 : i32
    %mul3A_1 = arith.constant 640 : i32
    %mul3A_2 = arith.muli %arg1, %mul3A_1 : i32
    "tpu.region"() ({
      %run_scoped3A_28 = tpu.sem_alloc : memref<!tpu.dma_semaphore, #tpu.memory_space<semaphore_mem>>
      %dma_start3A_29 = arith.constant 0 : i32
      %dma_start3A_30 = tpu.memref_slice %arg7[%mul3A_2, %dma_start3A_29] : memref<10240x128xf32, #tpu.memory_space<vmem_shared>> -> memref<640x128xf32, #tpu.memory_space<vmem_shared>>
      tpu.enqueue_dma source(%arg5 : memref<640x128xf32, #tpu.memory_space<hbm>>) target(%dma_start3A_30 : memref<640x128xf32, #tpu.memory_space<vmem_shared>>) target_semaphore(%run_scoped3A_28 : memref<!tpu.dma_semaphore, #tpu.memory_space<semaphore_mem>>)
      %dma_wait3A_31 = arith.constant 0 : i32
      %dma_wait3A_32 = tpu.memref_slice %arg7[%mul3A_2, %dma_wait3A_31] : memref<10240x128xf32, #tpu.memory_space<vmem_shared>> -> memref<640x128xf32, #tpu.memory_space<vmem_shared>>
      tpu.wait_dma2 semaphore(%run_scoped3A_28 : memref<!tpu.dma_semaphore, #tpu.memory_space<semaphore_mem>>) src(%arg5 : memref<640x128xf32, #tpu.memory_space<hbm>>) dst(%dma_wait3A_32 : memref<640x128xf32, #tpu.memory_space<vmem_shared>>)
      tpu.yield
    }) : () -> ()
    "tpu.region"() ({
      %run_scoped3A_28 = tpu.sem_alloc : memref<!tpu.dma_semaphore, #tpu.memory_space<semaphore_mem>>
      %dma_start3A_29 = arith.constant 0 : i32
      %dma_start3A_30 = tpu.memref_slice %arg3[%add3A, %dma_start3A_29] : memref<32x10000xi32, #tpu.memory_space<hbm>> -> memref<1x10000xi32, #tpu.memory_space<hbm>>
      %dma_start3A_31 = tpu.memref_squeeze %dma_start3A_30 : memref<1x10000xi32, #tpu.memory_space<hbm>> -> memref<10000xi32, #tpu.memory_space<hbm>>
      %dma_start3A_32 = arith.constant 0 : i32
      %dma_start3A_33 = tpu.memref_slice %arg3[%add3A, %dma_start3A_32] : memref<32x10000xi32, #tpu.memory_space<hbm>> -> memref<1x10000xi32, #tpu.memory_space<hbm>>
      %dma_start3A_34 = tpu.memref_squeeze %dma_start3A_33 : memref<1x10000xi32, #tpu.memory_space<hbm>> -> memref<10000xi32, #tpu.memory_space<hbm>>
      tpu.enqueue_dma source(%dma_start3A_34 : memref<10000xi32, #tpu.memory_space<hbm>>) target(%arg8 : memref<10000xi32, #tpu.memory_space<vmem>>) target_semaphore(%run_scoped3A_28 : memref<!tpu.dma_semaphore, #tpu.memory_space<semaphore_mem>>)
      %dma_wait3A_35 = arith.constant 0 : i32
      %dma_wait3A_36 = tpu.memref_slice %arg3[%add3A, %dma_wait3A_35] : memref<32x10000xi32, #tpu.memory_space<hbm>> -> memref<1x10000xi32, #tpu.memory_space<hbm>>
      %dma_wait3A_37 = tpu.memref_squeeze %dma_wait3A_36 : memref<1x10000xi32, #tpu.memory_space<hbm>> -> memref<10000xi32, #tpu.memory_space<hbm>>
      %dma_wait3A_38 = arith.constant 0 : i32
      %dma_wait3A_39 = tpu.memref_slice %arg3[%add3A, %dma_wait3A_38] : memref<32x10000xi32, #tpu.memory_space<hbm>> -> memref<1x10000xi32, #tpu.memory_space<hbm>>
      %dma_wait3A_40 = tpu.memref_squeeze %dma_wait3A_39 : memref<1x10000xi32, #tpu.memory_space<hbm>> -> memref<10000xi32, #tpu.memory_space<hbm>>
      tpu.wait_dma2 semaphore(%run_scoped3A_28 : memref<!tpu.dma_semaphore, #tpu.memory_space<semaphore_mem>>) src(%dma_wait3A_40 : memref<10000xi32, #tpu.memory_space<hbm>>) dst(%arg8 : memref<10000xi32, #tpu.memory_space<vmem>>)
      tpu.yield
    }) : () -> ()
    "tpu.region"() ({
      %run_scoped3A_28 = tpu.sem_alloc : memref<!tpu.dma_semaphore, #tpu.memory_space<semaphore_mem>>
      %dma_start3A_29 = arith.constant 0 : i32
      %dma_start3A_30 = arith.constant 0 : i32
      %dma_start3A_31 = tpu.memref_slice %arg4[%add3A, %dma_start3A_29, %dma_start3A_30] : memref<32x125x80xi32, #tpu.memory_space<hbm>> -> memref<1x125x80xi32, #tpu.memory_space<hbm>>
      %dma_start3A_32 = tpu.memref_squeeze %dma_start3A_31 : memref<1x125x80xi32, #tpu.memory_space<hbm>> -> memref<125x80xi32, #tpu.memory_space<hbm>>
      %dma_start3A_33 = arith.constant 0 : i32
      %dma_start3A_34 = arith.constant 0 : i32
      %dma_start3A_35 = tpu.memref_slice %arg4[%add3A, %dma_start3A_33, %dma_start3A_34] : memref<32x125x80xi32, #tpu.memory_space<hbm>> -> memref<1x125x80xi32, #tpu.memory_space<hbm>>
      %dma_start3A_36 = tpu.memref_squeeze %dma_start3A_35 : memref<1x125x80xi32, #tpu.memory_space<hbm>> -> memref<125x80xi32, #tpu.memory_space<hbm>>
      tpu.enqueue_dma source(%dma_start3A_36 : memref<125x80xi32, #tpu.memory_space<hbm>>) target(%arg9 : memref<125x80xi32, #tpu.memory_space<vmem>>) target_semaphore(%run_scoped3A_28 : memref<!tpu.dma_semaphore, #tpu.memory_space<semaphore_mem>>)
      %dma_wait3A_37 = arith.constant 0 : i32
      %dma_wait3A_38 = arith.constant 0 : i32
      %dma_wait3A_39 = tpu.memref_slice %arg4[%add3A, %dma_wait3A_37, %dma_wait3A_38] : memref<32x125x80xi32, #tpu.memory_space<hbm>> -> memref<1x125x80xi32, #tpu.memory_space<hbm>>
      %dma_wait3A_40 = tpu.memref_squeeze %dma_wait3A_39 : memref<1x125x80xi32, #tpu.memory_space<hbm>> -> memref<125x80xi32, #tpu.memory_space<hbm>>
      %dma_wait3A_41 = arith.constant 0 : i32
      %dma_wait3A_42 = arith.constant 0 : i32
      %dma_wait3A_43 = tpu.memref_slice %arg4[%add3A, %dma_wait3A_41, %dma_wait3A_42] : memref<32x125x80xi32, #tpu.memory_space<hbm>> -> memref<1x125x80xi32, #tpu.memory_space<hbm>>
      %dma_wait3A_44 = tpu.memref_squeeze %dma_wait3A_43 : memref<1x125x80xi32, #tpu.memory_space<hbm>> -> memref<125x80xi32, #tpu.memory_space<hbm>>
      tpu.wait_dma2 semaphore(%run_scoped3A_28 : memref<!tpu.dma_semaphore, #tpu.memory_space<semaphore_mem>>) src(%dma_wait3A_44 : memref<125x80xi32, #tpu.memory_space<hbm>>) dst(%arg9 : memref<125x80xi32, #tpu.memory_space<vmem>>)
      tpu.yield
    }) : () -> ()
    %barrier3A = arith.constant 0 : index
    tpu.barrier barrier_id(%barrier3A)
    %dma_start3A = arith.constant 0 : i32
    %dma_start3A_3 = arith.constant 0 : i32
    %dma_start3A_4 = tpu.memref_slice %arg8[%dma_start3A_3] : memref<10000xi32, #tpu.memory_space<vmem>> -> memref<80xi32, #tpu.memory_space<vmem>>
    %dma_start3A_5 = arith.constant 0 : i32
    %dma_start3A_6 = arith.constant 0 : i32
    %dma_start3A_7 = tpu.memref_slice %arg2[%dma_start3A_5, %dma_start3A_6] : memref<10000x128xf32, #tpu.memory_space<hbm>> -> memref<10000x128xf32, #tpu.memory_space<hbm>>
    %dma_start3A_8 = tpu.memref_slice %arg12[%dma_start3A] : memref<2x!tpu.dma_semaphore, #tpu.memory_space<semaphore_mem>> -> memref<1x!tpu.dma_semaphore, #tpu.memory_space<semaphore_mem>>
    %dma_start3A_9 = tpu.memref_squeeze %dma_start3A_8 : memref<1x!tpu.dma_semaphore, #tpu.memory_space<semaphore_mem>> -> memref<!tpu.dma_semaphore, #tpu.memory_space<semaphore_mem>>
    tpu.enqueue_indirect_dma source(%dma_start3A_7 : memref<10000x128xf32, #tpu.memory_space<hbm>>) target(%arg10 : memref<80x128xf32, #tpu.memory_space<vmem>>) offsets(%dma_start3A_4 : memref<80xi32, #tpu.memory_space<vmem>>) semaphore(%dma_start3A_9 : memref<!tpu.dma_semaphore, #tpu.memory_space<semaphore_mem>>)
    %scan3A = arith.constant 0 : i32
    %scan3A_10 = arith.constant 0 : i32
    %scan3A_11 = arith.constant 62 : i32
    %scan3A_12 = arith.addi %scan3A_10, %scan3A_11 : i32
    %scan3A_13 = arith.constant 1 : i32
    %scan3A_14 = scf.for %scan3A_28 = %scan3A_10 to %scan3A_12 step %scan3A_13 iter_args(%scan3A_29 = %scan3A) -> (i32)  : i32 {
      %mul3A_30 = arith.constant 2 : i32
      %mul3A_31 = arith.muli %mul3A_30, %scan3A_28 : i32
      %add3A_32 = arith.constant 1 : i32
      %add3A_33 = arith.addi %mul3A_31, %add3A_32 : i32
      %mul3A_34 = arith.constant 80 : i32
      %mul3A_35 = arith.muli %add3A_33, %mul3A_34 : i32
      %dma_start3A_36 = arith.constant 1 : i32
      %dma_start3A_37 = tpu.memref_slice %arg8[%mul3A_35] : memref<10000xi32, #tpu.memory_space<vmem>> -> memref<80xi32, #tpu.memory_space<vmem>>
      %dma_start3A_38 = arith.constant 0 : i32
      %dma_start3A_39 = arith.constant 0 : i32
      %dma_start3A_40 = tpu.memref_slice %arg2[%dma_start3A_38, %dma_start3A_39] : memref<10000x128xf32, #tpu.memory_space<hbm>> -> memref<10000x128xf32, #tpu.memory_space<hbm>>
      %dma_start3A_41 = tpu.memref_slice %arg12[%dma_start3A_36] : memref<2x!tpu.dma_semaphore, #tpu.memory_space<semaphore_mem>> -> memref<1x!tpu.dma_semaphore, #tpu.memory_space<semaphore_mem>>
      %dma_start3A_42 = tpu.memref_squeeze %dma_start3A_41 : memref<1x!tpu.dma_semaphore, #tpu.memory_space<semaphore_mem>> -> memref<!tpu.dma_semaphore, #tpu.memory_space<semaphore_mem>>
      tpu.enqueue_indirect_dma source(%dma_start3A_40 : memref<10000x128xf32, #tpu.memory_space<hbm>>) target(%arg11 : memref<80x128xf32, #tpu.memory_space<vmem>>) offsets(%dma_start3A_37 : memref<80xi32, #tpu.memory_space<vmem>>) semaphore(%dma_start3A_42 : memref<!tpu.dma_semaphore, #tpu.memory_space<semaphore_mem>>)
      %dma_wait3A_43 = arith.constant 0 : i32
      %dma_wait3A_44 = arith.constant 0 : i32
      %dma_wait3A_45 = tpu.memref_slice %arg8[%dma_wait3A_44] : memref<10000xi32, #tpu.memory_space<vmem>> -> memref<80xi32, #tpu.memory_space<vmem>>
      %dma_wait3A_46 = arith.constant 0 : i32
      %dma_wait3A_47 = arith.constant 0 : i32
      %dma_wait3A_48 = tpu.memref_slice %arg2[%dma_wait3A_46, %dma_wait3A_47] : memref<10000x128xf32, #tpu.memory_space<hbm>> -> memref<10000x128xf32, #tpu.memory_space<hbm>>
      %dma_wait3A_49 = tpu.memref_slice %arg12[%dma_wait3A_43] : memref<2x!tpu.dma_semaphore, #tpu.memory_space<semaphore_mem>> -> memref<1x!tpu.dma_semaphore, #tpu.memory_space<semaphore_mem>>
      %dma_wait3A_50 = tpu.memref_squeeze %dma_wait3A_49 : memref<1x!tpu.dma_semaphore, #tpu.memory_space<semaphore_mem>> -> memref<!tpu.dma_semaphore, #tpu.memory_space<semaphore_mem>>
      tpu.wait_indirect_dma semaphore(%dma_wait3A_50 : memref<!tpu.dma_semaphore, #tpu.memory_space<semaphore_mem>>) src(%dma_wait3A_48 : memref<10000x128xf32, #tpu.memory_space<hbm>>) dst(%arg10 : memref<80x128xf32, #tpu.memory_space<vmem>>)
      "tpu.region"() ({
        %run_scoped3A_66 = tpu.sem_alloc : memref<!tpu.dma_semaphore, #tpu.memory_space<semaphore_mem>>
        %dma_start3A_67 = arith.constant 0 : i32
        %dma_start3A_68 = tpu.memref_slice %arg9[%mul3A_31, %dma_start3A_67] : memref<125x80xi32, #tpu.memory_space<vmem>> -> memref<1x80xi32, #tpu.memory_space<vmem>>
        %dma_start3A_69 = tpu.memref_squeeze %dma_start3A_68 : memref<1x80xi32, #tpu.memory_space<vmem>> -> memref<80xi32, #tpu.memory_space<vmem>>
        %dma_start3A_70 = arith.constant 0 : i32
        %dma_start3A_71 = arith.constant 0 : i32
        %dma_start3A_72 = tpu.memref_slice %arg7[%dma_start3A_70, %dma_start3A_71] : memref<10240x128xf32, #tpu.memory_space<vmem_shared>> -> memref<10240x128xf32, #tpu.memory_space<vmem_shared>>
        tpu.enqueue_indirect_dma source(%arg10 : memref<80x128xf32, #tpu.memory_space<vmem>>) target(%dma_start3A_72 : memref<10240x128xf32, #tpu.memory_space<vmem_shared>>) offsets(%dma_start3A_69 : memref<80xi32, #tpu.memory_space<vmem>>) semaphore(%run_scoped3A_66 : memref<!tpu.dma_semaphore, #tpu.memory_space<semaphore_mem>>) {add = true}
        %dma_wait3A_73 = arith.constant 0 : i32
        %dma_wait3A_74 = tpu.memref_slice %arg9[%mul3A_31, %dma_wait3A_73] : memref<125x80xi32, #tpu.memory_space<vmem>> -> memref<1x80xi32, #tpu.memory_space<vmem>>
        %dma_wait3A_75 = tpu.memref_squeeze %dma_wait3A_74 : memref<1x80xi32, #tpu.memory_space<vmem>> -> memref<80xi32, #tpu.memory_space<vmem>>
        %dma_wait3A_76 = arith.constant 0 : i32
        %dma_wait3A_77 = arith.constant 0 : i32
        %dma_wait3A_78 = tpu.memref_slice %arg7[%dma_wait3A_76, %dma_wait3A_77] : memref<10240x128xf32, #tpu.memory_space<vmem_shared>> -> memref<10240x128xf32, #tpu.memory_space<vmem_shared>>
        tpu.wait_indirect_dma semaphore(%run_scoped3A_66 : memref<!tpu.dma_semaphore, #tpu.memory_space<semaphore_mem>>) src(%arg10 : memref<80x128xf32, #tpu.memory_space<vmem>>) dst(%dma_wait3A_78 : memref<10240x128xf32, #tpu.memory_space<vmem_shared>>)
        tpu.yield
      }) : () -> ()
      %add3A_51 = arith.constant 2 : i32
      %add3A_52 = arith.addi %mul3A_31, %add3A_51 : i32
      %lt3A = arith.constant 125 : i32
      %lt3A_53 = arith.cmpi slt, %add3A_52, %lt3A : i32
      %convert_element_type3A = arith.extui %lt3A_53 : i1 to i32
      %cond3A = arith.constant 0 : i32
      %cond3A_54 = arith.cmpi ne, %convert_element_type3A, %cond3A : i32
      scf.if %cond3A_54 {
        %add3A_66 = arith.constant 2 : i32
        %add3A_67 = arith.addi %mul3A_31, %add3A_66 : i32
        %mul3A_68 = arith.constant 80 : i32
        %mul3A_69 = arith.muli %add3A_67, %mul3A_68 : i32
        %dma_start3A_70 = arith.constant 0 : i32
        %dma_start3A_71 = tpu.memref_slice %arg8[%mul3A_69] : memref<10000xi32, #tpu.memory_space<vmem>> -> memref<80xi32, #tpu.memory_space<vmem>>
        %dma_start3A_72 = arith.constant 0 : i32
        %dma_start3A_73 = arith.constant 0 : i32
        %dma_start3A_74 = tpu.memref_slice %arg2[%dma_start3A_72, %dma_start3A_73] : memref<10000x128xf32, #tpu.memory_space<hbm>> -> memref<10000x128xf32, #tpu.memory_space<hbm>>
        %dma_start3A_75 = tpu.memref_slice %arg12[%dma_start3A_70] : memref<2x!tpu.dma_semaphore, #tpu.memory_space<semaphore_mem>> -> memref<1x!tpu.dma_semaphore, #tpu.memory_space<semaphore_mem>>
        %dma_start3A_76 = tpu.memref_squeeze %dma_start3A_75 : memref<1x!tpu.dma_semaphore, #tpu.memory_space<semaphore_mem>> -> memref<!tpu.dma_semaphore, #tpu.memory_space<semaphore_mem>>
        tpu.enqueue_indirect_dma source(%dma_start3A_74 : memref<10000x128xf32, #tpu.memory_space<hbm>>) target(%arg10 : memref<80x128xf32, #tpu.memory_space<vmem>>) offsets(%dma_start3A_71 : memref<80xi32, #tpu.memory_space<vmem>>) semaphore(%dma_start3A_76 : memref<!tpu.dma_semaphore, #tpu.memory_space<semaphore_mem>>)
      } else {
      }
      %dma_wait3A_55 = arith.constant 1 : i32
      %dma_wait3A_56 = arith.constant 0 : i32
      %dma_wait3A_57 = tpu.memref_slice %arg8[%dma_wait3A_56] : memref<10000xi32, #tpu.memory_space<vmem>> -> memref<80xi32, #tpu.memory_space<vmem>>
      %dma_wait3A_58 = arith.constant 0 : i32
      %dma_wait3A_59 = arith.constant 0 : i32
      %dma_wait3A_60 = tpu.memref_slice %arg2[%dma_wait3A_58, %dma_wait3A_59] : memref<10000x128xf32, #tpu.memory_space<hbm>> -> memref<10000x128xf32, #tpu.memory_space<hbm>>
      %dma_wait3A_61 = tpu.memref_slice %arg12[%dma_wait3A_55] : memref<2x!tpu.dma_semaphore, #tpu.memory_space<semaphore_mem>> -> memref<1x!tpu.dma_semaphore, #tpu.memory_space<semaphore_mem>>
      %dma_wait3A_62 = tpu.memref_squeeze %dma_wait3A_61 : memref<1x!tpu.dma_semaphore, #tpu.memory_space<semaphore_mem>> -> memref<!tpu.dma_semaphore, #tpu.memory_space<semaphore_mem>>
      tpu.wait_indirect_dma semaphore(%dma_wait3A_62 : memref<!tpu.dma_semaphore, #tpu.memory_space<semaphore_mem>>) src(%dma_wait3A_60 : memref<10000x128xf32, #tpu.memory_space<hbm>>) dst(%arg11 : memref<80x128xf32, #tpu.memory_space<vmem>>)
      %add3A_63 = arith.constant 1 : i32
      %add3A_64 = arith.addi %mul3A_31, %add3A_63 : i32
      "tpu.region"() ({
        %run_scoped3A_66 = tpu.sem_alloc : memref<!tpu.dma_semaphore, #tpu.memory_space<semaphore_mem>>
        %dma_start3A_67 = arith.constant 0 : i32
        %dma_start3A_68 = tpu.memref_slice %arg9[%add3A_64, %dma_start3A_67] : memref<125x80xi32, #tpu.memory_space<vmem>> -> memref<1x80xi32, #tpu.memory_space<vmem>>
        %dma_start3A_69 = tpu.memref_squeeze %dma_start3A_68 : memref<1x80xi32, #tpu.memory_space<vmem>> -> memref<80xi32, #tpu.memory_space<vmem>>
        %dma_start3A_70 = arith.constant 0 : i32
        %dma_start3A_71 = arith.constant 0 : i32
        %dma_start3A_72 = tpu.memref_slice %arg7[%dma_start3A_70, %dma_start3A_71] : memref<10240x128xf32, #tpu.memory_space<vmem_shared>> -> memref<10240x128xf32, #tpu.memory_space<vmem_shared>>
        tpu.enqueue_indirect_dma source(%arg11 : memref<80x128xf32, #tpu.memory_space<vmem>>) target(%dma_start3A_72 : memref<10240x128xf32, #tpu.memory_space<vmem_shared>>) offsets(%dma_start3A_69 : memref<80xi32, #tpu.memory_space<vmem>>) semaphore(%run_scoped3A_66 : memref<!tpu.dma_semaphore, #tpu.memory_space<semaphore_mem>>) {add = true}
        %dma_wait3A_73 = arith.constant 0 : i32
        %dma_wait3A_74 = tpu.memref_slice %arg9[%add3A_64, %dma_wait3A_73] : memref<125x80xi32, #tpu.memory_space<vmem>> -> memref<1x80xi32, #tpu.memory_space<vmem>>
        %dma_wait3A_75 = tpu.memref_squeeze %dma_wait3A_74 : memref<1x80xi32, #tpu.memory_space<vmem>> -> memref<80xi32, #tpu.memory_space<vmem>>
        %dma_wait3A_76 = arith.constant 0 : i32
        %dma_wait3A_77 = arith.constant 0 : i32
        %dma_wait3A_78 = tpu.memref_slice %arg7[%dma_wait3A_76, %dma_wait3A_77] : memref<10240x128xf32, #tpu.memory_space<vmem_shared>> -> memref<10240x128xf32, #tpu.memory_space<vmem_shared>>
        tpu.wait_indirect_dma semaphore(%run_scoped3A_66 : memref<!tpu.dma_semaphore, #tpu.memory_space<semaphore_mem>>) src(%arg11 : memref<80x128xf32, #tpu.memory_space<vmem>>) dst(%dma_wait3A_78 : memref<10240x128xf32, #tpu.memory_space<vmem_shared>>)
        tpu.yield
      }) : () -> ()
      %scan3A_65 = arith.constant 0 : i32
      scf.yield %scan3A_65 : i32
    }
    %scan3A_15 = arith.constant 62 : i32
    %dma_wait3A = arith.constant 0 : i32
    %dma_wait3A_16 = arith.constant 0 : i32
    %dma_wait3A_17 = tpu.memref_slice %arg8[%dma_wait3A_16] : memref<10000xi32, #tpu.memory_space<vmem>> -> memref<80xi32, #tpu.memory_space<vmem>>
    %dma_wait3A_18 = arith.constant 0 : i32
    %dma_wait3A_19 = arith.constant 0 : i32
    %dma_wait3A_20 = tpu.memref_slice %arg2[%dma_wait3A_18, %dma_wait3A_19] : memref<10000x128xf32, #tpu.memory_space<hbm>> -> memref<10000x128xf32, #tpu.memory_space<hbm>>
    %dma_wait3A_21 = tpu.memref_slice %arg12[%dma_wait3A] : memref<2x!tpu.dma_semaphore, #tpu.memory_space<semaphore_mem>> -> memref<1x!tpu.dma_semaphore, #tpu.memory_space<semaphore_mem>>
    %dma_wait3A_22 = tpu.memref_squeeze %dma_wait3A_21 : memref<1x!tpu.dma_semaphore, #tpu.memory_space<semaphore_mem>> -> memref<!tpu.dma_semaphore, #tpu.memory_space<semaphore_mem>>
    tpu.wait_indirect_dma semaphore(%dma_wait3A_22 : memref<!tpu.dma_semaphore, #tpu.memory_space<semaphore_mem>>) src(%dma_wait3A_20 : memref<10000x128xf32, #tpu.memory_space<hbm>>) dst(%arg10 : memref<80x128xf32, #tpu.memory_space<vmem>>)
    %run_scoped3A = arith.constant 124 : i32
    "tpu.region"() ({
      %run_scoped3A_28 = tpu.sem_alloc : memref<!tpu.dma_semaphore, #tpu.memory_space<semaphore_mem>>
      %dma_start3A_29 = arith.constant 0 : i32
      %dma_start3A_30 = tpu.memref_slice %arg9[%run_scoped3A, %dma_start3A_29] : memref<125x80xi32, #tpu.memory_space<vmem>> -> memref<1x80xi32, #tpu.memory_space<vmem>>
      %dma_start3A_31 = tpu.memref_squeeze %dma_start3A_30 : memref<1x80xi32, #tpu.memory_space<vmem>> -> memref<80xi32, #tpu.memory_space<vmem>>
      %dma_start3A_32 = arith.constant 0 : i32
      %dma_start3A_33 = arith.constant 0 : i32
      %dma_start3A_34 = tpu.memref_slice %arg7[%dma_start3A_32, %dma_start3A_33] : memref<10240x128xf32, #tpu.memory_space<vmem_shared>> -> memref<10240x128xf32, #tpu.memory_space<vmem_shared>>
      tpu.enqueue_indirect_dma source(%arg10 : memref<80x128xf32, #tpu.memory_space<vmem>>) target(%dma_start3A_34 : memref<10240x128xf32, #tpu.memory_space<vmem_shared>>) offsets(%dma_start3A_31 : memref<80xi32, #tpu.memory_space<vmem>>) semaphore(%run_scoped3A_28 : memref<!tpu.dma_semaphore, #tpu.memory_space<semaphore_mem>>) {add = true}
      %dma_wait3A_35 = arith.constant 0 : i32
      %dma_wait3A_36 = tpu.memref_slice %arg9[%run_scoped3A, %dma_wait3A_35] : memref<125x80xi32, #tpu.memory_space<vmem>> -> memref<1x80xi32, #tpu.memory_space<vmem>>
      %dma_wait3A_37 = tpu.memref_squeeze %dma_wait3A_36 : memref<1x80xi32, #tpu.memory_space<vmem>> -> memref<80xi32, #tpu.memory_space<vmem>>
      %dma_wait3A_38 = arith.constant 0 : i32
      %dma_wait3A_39 = arith.constant 0 : i32
      %dma_wait3A_40 = tpu.memref_slice %arg7[%dma_wait3A_38, %dma_wait3A_39] : memref<10240x128xf32, #tpu.memory_space<vmem_shared>> -> memref<10240x128xf32, #tpu.memory_space<vmem_shared>>
      tpu.wait_indirect_dma semaphore(%run_scoped3A_28 : memref<!tpu.dma_semaphore, #tpu.memory_space<semaphore_mem>>) src(%arg10 : memref<80x128xf32, #tpu.memory_space<vmem>>) dst(%dma_wait3A_40 : memref<10240x128xf32, #tpu.memory_space<vmem_shared>>)
      tpu.yield
    }) : () -> ()
    %barrier3A_23 = arith.constant 0 : index
    tpu.barrier barrier_id(%barrier3A_23)
    %mul3A_24 = arith.constant 640 : i32
    %mul3A_25 = arith.muli %arg1, %mul3A_24 : i32
    %mul3A_26 = arith.constant 640 : i32
    %mul3A_27 = arith.muli %arg1, %mul3A_26 : i32
    "tpu.region"() ({
      %run_scoped3A_28 = tpu.sem_alloc : memref<!tpu.dma_semaphore, #tpu.memory_space<semaphore_mem>>
      %dma_start3A_29 = arith.constant 0 : i32
      %dma_start3A_30 = arith.constant 0 : i32
      %dma_start3A_31 = tpu.memref_slice %arg6[%arg0, %dma_start3A_29, %dma_start3A_30] : memref<2x10240x128xf32, #tpu.memory_space<hbm>> -> memref<1x10240x128xf32, #tpu.memory_space<hbm>>
      %dma_start3A_32 = tpu.memref_squeeze %dma_start3A_31 : memref<1x10240x128xf32, #tpu.memory_space<hbm>> -> memref<10240x128xf32, #tpu.memory_space<hbm>>
      %dma_start3A_33 = arith.constant 0 : i32
      %dma_start3A_34 = tpu.memref_slice %dma_start3A_32[%mul3A_27, %dma_start3A_33] : memref<10240x128xf32, #tpu.memory_space<hbm>> -> memref<640x128xf32, #tpu.memory_space<hbm>>
      %dma_start3A_35 = arith.constant 0 : i32
      %dma_start3A_36 = tpu.memref_slice %arg7[%mul3A_25, %dma_start3A_35] : memref<10240x128xf32, #tpu.memory_space<vmem_shared>> -> memref<640x128xf32, #tpu.memory_space<vmem_shared>>
      tpu.enqueue_dma source(%dma_start3A_36 : memref<640x128xf32, #tpu.memory_space<vmem_shared>>) target(%dma_start3A_34 : memref<640x128xf32, #tpu.memory_space<hbm>>) target_semaphore(%run_scoped3A_28 : memref<!tpu.dma_semaphore, #tpu.memory_space<semaphore_mem>>)
      %dma_wait3A_37 = arith.constant 0 : i32
      %dma_wait3A_38 = arith.constant 0 : i32
      %dma_wait3A_39 = tpu.memref_slice %arg6[%arg0, %dma_wait3A_37, %dma_wait3A_38] : memref<2x10240x128xf32, #tpu.memory_space<hbm>> -> memref<1x10240x128xf32, #tpu.memory_space<hbm>>
      %dma_wait3A_40 = tpu.memref_squeeze %dma_wait3A_39 : memref<1x10240x128xf32, #tpu.memory_space<hbm>> -> memref<10240x128xf32, #tpu.memory_space<hbm>>
      %dma_wait3A_41 = arith.constant 0 : i32
      %dma_wait3A_42 = tpu.memref_slice %dma_wait3A_40[%mul3A_27, %dma_wait3A_41] : memref<10240x128xf32, #tpu.memory_space<hbm>> -> memref<640x128xf32, #tpu.memory_space<hbm>>
      %dma_wait3A_43 = arith.constant 0 : i32
      %dma_wait3A_44 = tpu.memref_slice %arg7[%mul3A_25, %dma_wait3A_43] : memref<10240x128xf32, #tpu.memory_space<vmem_shared>> -> memref<640x128xf32, #tpu.memory_space<vmem_shared>>
      tpu.wait_dma2 semaphore(%run_scoped3A_28 : memref<!tpu.dma_semaphore, #tpu.memory_space<semaphore_mem>>) src(%dma_wait3A_44 : memref<640x128xf32, #tpu.memory_space<vmem_shared>>) dst(%dma_wait3A_42 : memref<640x128xf32, #tpu.memory_space<hbm>>)
      tpu.yield
    }) : () -> ()
    return
  }
}

module attributes {stable_mosaic.version = 14 : i64} {
  func.func @_mm_body(%arg0: i32, %arg1: memref<2000x128xf32, #tpu.memory_space<vmem>>, %arg2: memref<128x128xf32, #tpu.memory_space<vmem>>, %arg3: memref<128x128xf32, #tpu.memory_space<vmem>>, %arg4: memref<1x128xf32, #tpu.memory_space<vmem>>, %arg5: memref<2000x128xf32, #tpu.memory_space<vmem>>, %arg6: memref<2000x128xf32, #tpu.memory_space<vmem>>) attributes {dimension_semantics = [#tpu.dimension_semantics<arbitrary>], iteration_bounds = array<i64: 5>, scalar_prefetch = 0 : i64, scratch_operands = 0 : i64, tpu.core_type = #tpu.core_type<tc>, window_params = [{transform_indices = @transform_0, window_bounds = array<i64: 2000, 128>}, {pipeline_mode = #tpu.pipeline_mode<synchronous>, transform_indices = @transform_1, window_bounds = array<i64: 128, 128>}, {pipeline_mode = #tpu.pipeline_mode<synchronous>, transform_indices = @transform_2, window_bounds = array<i64: 128, 128>}, {pipeline_mode = #tpu.pipeline_mode<synchronous>, transform_indices = @transform_3, window_bounds = array<i64: 1, 128>}, {transform_indices = @transform_4, window_bounds = array<i64: 2000, 128>}, {transform_indices = @transform_5, window_bounds = array<i64: 2000, 128>}]} {
    %get3A = arith.constant 0 : index
    %get3A_0 = arith.constant 0 : index
    %get3A_1 = vector.load %arg1[%get3A, %get3A_0] : memref<2000x128xf32, #tpu.memory_space<vmem>>, vector<2000x128xf32>
    %get3A_2 = arith.constant 0 : index
    %get3A_3 = arith.constant 0 : index
    %get3A_4 = vector.load %arg2[%get3A_2, %get3A_3] : memref<128x128xf32, #tpu.memory_space<vmem>>, vector<128x128xf32>
    %dot_general3A = arith.constant dense<0.000000e+00> : vector<2000x128xf32>
    %dot_general3A_5 = tpu.matmul %get3A_1, %get3A_4, %dot_general3A {dimension_numbers = #tpu.dot_dimension_numbers<[1], [1], [0], [0], [0, 0, 1, 0], [], []>, transpose_lhs_hint = false} : vector<2000x128xf32>, vector<128x128xf32>, vector<2000x128xf32> -> vector<2000x128xf32>
    %swap3A = arith.constant 0 : index
    %swap3A_6 = arith.constant 0 : index
    %swap3A_7 = vector.load %arg5[%swap3A, %swap3A_6] : memref<2000x128xf32, #tpu.memory_space<vmem>>, vector<2000x128xf32>
    tpu.vector_store %arg5[%swap3A, %swap3A_6], %dot_general3A_5 {strides = array<i32>} : memref<2000x128xf32, #tpu.memory_space<vmem>>, vector<2000x128xf32>,
    %get3A_8 = arith.constant 0 : index
    %get3A_9 = arith.constant 0 : index
    %get3A_10 = vector.load %arg3[%get3A_8, %get3A_9] : memref<128x128xf32, #tpu.memory_space<vmem>>, vector<128x128xf32>
    %dot_general3A_11 = arith.constant dense<0.000000e+00> : vector<2000x128xf32>
    %dot_general3A_12 = tpu.matmul %get3A_1, %get3A_10, %dot_general3A_11 {dimension_numbers = #tpu.dot_dimension_numbers<[1], [1], [0], [0], [0, 0, 1, 0], [], []>, transpose_lhs_hint = false} : vector<2000x128xf32>, vector<128x128xf32>, vector<2000x128xf32> -> vector<2000x128xf32>
    %get3A_13 = arith.constant 0 : index
    %get3A_14 = arith.constant 0 : index
    %get3A_15 = vector.load %arg4[%get3A_13, %get3A_14] : memref<1x128xf32, #tpu.memory_space<vmem>>, vector<1x128xf32>
    %add3A = vector.broadcast %get3A_15 : vector<1x128xf32> to vector<2000x128xf32>
    %add3A_16 = arith.addf %dot_general3A_12, %add3A : vector<2000x128xf32>
    %swap3A_17 = arith.constant 0 : index
    %swap3A_18 = arith.constant 0 : index
    %swap3A_19 = vector.load %arg6[%swap3A_17, %swap3A_18] : memref<2000x128xf32, #tpu.memory_space<vmem>>, vector<2000x128xf32>
    tpu.vector_store %arg6[%swap3A_17, %swap3A_18], %add3A_16 {strides = array<i32>} : memref<2000x128xf32, #tpu.memory_space<vmem>>, vector<2000x128xf32>,
    return
  }
  func.func @transform_0(%arg0: i32) -> (i32, i32) {
    %c0_i32 = arith.constant 0 : i32
    %c0_i32_0 = arith.constant 0 : i32
    return %arg0, %c0_i32 : i32, i32
  }
  func.func @transform_1(%arg0: i32) -> (i32, i32) {
    %c0_i32 = arith.constant 0 : i32
    %c0_i32_0 = arith.constant 0 : i32
    %c0_i32_1 = arith.constant 0 : i32
    return %c0_i32, %c0_i32_0 : i32, i32
  }
  func.func @transform_2(%arg0: i32) -> (i32, i32) {
    %c0_i32 = arith.constant 0 : i32
    %c0_i32_0 = arith.constant 0 : i32
    %c0_i32_1 = arith.constant 0 : i32
    return %c0_i32, %c0_i32_0 : i32, i32
  }
  func.func @transform_3(%arg0: i32) -> (i32, i32) {
    %c0_i32 = arith.constant 0 : i32
    %c0_i32_0 = arith.constant 0 : i32
    %c0_i32_1 = arith.constant 0 : i32
    return %c0_i32, %c0_i32_0 : i32, i32
  }
  func.func @transform_4(%arg0: i32) -> (i32, i32) {
    %c0_i32 = arith.constant 0 : i32
    %c0_i32_0 = arith.constant 0 : i32
    return %arg0, %c0_i32 : i32, i32
  }
  func.func @transform_5(%arg0: i32) -> (i32, i32) {
    %c0_i32 = arith.constant 0 : i32
    %c0_i32_0 = arith.constant 0 : i32
    return %arg0, %c0_i32 : i32, i32
  }
}

module attributes {stable_mosaic.version = 14 : i64} {
  func.func @_fused_body(%arg0: i32, %arg1: memref<1x2000x128xf32, #tpu.memory_space<vmem>>, %arg2: memref<1x2000x128xf32, #tpu.memory_space<vmem>>, %arg3: memref<2000x1xf32, #tpu.memory_space<vmem>>, %arg4: memref<2000x1xf32, #tpu.memory_space<vmem>>, %arg5: memref<2000x128xf32, #tpu.memory_space<vmem>>, %arg6: memref<128x128xf32, #tpu.memory_space<vmem>>, %arg7: memref<128x128xf32, #tpu.memory_space<vmem>>, %arg8: memref<1x128xf32, #tpu.memory_space<vmem>>, %arg9: memref<2000x128xf32, #tpu.memory_space<vmem>>, %arg10: memref<2000x128xf32, #tpu.memory_space<vmem>>) attributes {dimension_semantics = [#tpu.dimension_semantics<arbitrary>], iteration_bounds = array<i64: 5>, scalar_prefetch = 0 : i64, scratch_operands = 0 : i64, tpu.core_type = #tpu.core_type<tc>, window_params = [{transform_indices = @transform_0, window_bounds = array<i64: 1, 2000, 128>}, {transform_indices = @transform_1, window_bounds = array<i64: 1, 2000, 128>}, {transform_indices = @transform_2, window_bounds = array<i64: 2000, 1>}, {transform_indices = @transform_3, window_bounds = array<i64: 2000, 1>}, {transform_indices = @transform_4, window_bounds = array<i64: 2000, 128>}, {pipeline_mode = #tpu.pipeline_mode<synchronous>, transform_indices = @transform_5, window_bounds = array<i64: 128, 128>}, {pipeline_mode = #tpu.pipeline_mode<synchronous>, transform_indices = @transform_6, window_bounds = array<i64: 128, 128>}, {pipeline_mode = #tpu.pipeline_mode<synchronous>, transform_indices = @transform_7, window_bounds = array<i64: 1, 128>}, {transform_indices = @transform_8, window_bounds = array<i64: 2000, 128>}, {transform_indices = @transform_9, window_bounds = array<i64: 2000, 128>}]} {
    %get3A = arith.constant 0 : index
    %get3A_0 = arith.constant 0 : index
    %get3A_1 = vector.load %arg3[%get3A, %get3A_0] : memref<2000x1xf32, #tpu.memory_space<vmem>>, vector<2000x1xf32>
    %get3A_2 = arith.constant 0 : index
    %get3A_3 = arith.constant 0 : index
    %get3A_4 = vector.load %arg4[%get3A_2, %get3A_3] : memref<2000x1xf32, #tpu.memory_space<vmem>>, vector<2000x1xf32>
    %add3A = arith.addf %get3A_1, %get3A_4 : vector<2000x1xf32>
    %max3A = arith.constant 1.000000e+00 : f32
    %max3A_5 = vector.broadcast %max3A : f32 to vector<2000x1xf32>
    %max3A_6 = arith.maximumf %add3A, %max3A_5 : vector<2000x1xf32>
    %get3A_7 = arith.constant 0 : index
    %get3A_8 = arith.constant 0 : index
    %get3A_9 = arith.constant 0 : index
    %get3A_10 = vector.load %arg1[%get3A_7, %get3A_8, %get3A_9] : memref<1x2000x128xf32, #tpu.memory_space<vmem>>, vector<1x2000x128xf32>
    %get3A_11 = vector.shape_cast %get3A_10 : vector<1x2000x128xf32> to vector<2000x128xf32>
    %get3A_12 = arith.constant 0 : index
    %get3A_13 = arith.constant 0 : index
    %get3A_14 = arith.constant 0 : index
    %get3A_15 = vector.load %arg2[%get3A_12, %get3A_13, %get3A_14] : memref<1x2000x128xf32, #tpu.memory_space<vmem>>, vector<1x2000x128xf32>
    %get3A_16 = vector.shape_cast %get3A_15 : vector<1x2000x128xf32> to vector<2000x128xf32>
    %add3A_17 = arith.addf %get3A_11, %get3A_16 : vector<2000x128xf32>
    %div3A = vector.broadcast %max3A_6 : vector<2000x1xf32> to vector<2000x128xf32>
    %div3A_18 = arith.divf %add3A_17, %div3A : vector<2000x128xf32>
    %get3A_19 = arith.constant 0 : index
    %get3A_20 = arith.constant 0 : index
    %get3A_21 = vector.load %arg5[%get3A_19, %get3A_20] : memref<2000x128xf32, #tpu.memory_space<vmem>>, vector<2000x128xf32>
    %add3A_22 = arith.addf %div3A_18, %get3A_21 : vector<2000x128xf32>
    %max3A_23 = arith.constant 0.000000e+00 : f32
    %max3A_24 = vector.broadcast %max3A_23 : f32 to vector<2000x128xf32>
    %max3A_25 = arith.maximumf %add3A_22, %max3A_24 : vector<2000x128xf32>
    %get3A_26 = arith.constant 0 : index
    %get3A_27 = arith.constant 0 : index
    %get3A_28 = vector.load %arg6[%get3A_26, %get3A_27] : memref<128x128xf32, #tpu.memory_space<vmem>>, vector<128x128xf32>
    %dot_general3A = arith.constant dense<0.000000e+00> : vector<2000x128xf32>
    %dot_general3A_29 = tpu.matmul %max3A_25, %get3A_28, %dot_general3A {dimension_numbers = #tpu.dot_dimension_numbers<[1], [1], [0], [0], [0, 0, 1, 0], [], []>, transpose_lhs_hint = false} : vector<2000x128xf32>, vector<128x128xf32>, vector<2000x128xf32> -> vector<2000x128xf32>
    %swap3A = arith.constant 0 : index
    %swap3A_30 = arith.constant 0 : index
    %swap3A_31 = vector.load %arg9[%swap3A, %swap3A_30] : memref<2000x128xf32, #tpu.memory_space<vmem>>, vector<2000x128xf32>
    tpu.vector_store %arg9[%swap3A, %swap3A_30], %dot_general3A_29 {strides = array<i32>} : memref<2000x128xf32, #tpu.memory_space<vmem>>, vector<2000x128xf32>,
    %get3A_32 = arith.constant 0 : index
    %get3A_33 = arith.constant 0 : index
    %get3A_34 = vector.load %arg7[%get3A_32, %get3A_33] : memref<128x128xf32, #tpu.memory_space<vmem>>, vector<128x128xf32>
    %dot_general3A_35 = arith.constant dense<0.000000e+00> : vector<2000x128xf32>
    %dot_general3A_36 = tpu.matmul %max3A_25, %get3A_34, %dot_general3A_35 {dimension_numbers = #tpu.dot_dimension_numbers<[1], [1], [0], [0], [0, 0, 1, 0], [], []>, transpose_lhs_hint = false} : vector<2000x128xf32>, vector<128x128xf32>, vector<2000x128xf32> -> vector<2000x128xf32>
    %get3A_37 = arith.constant 0 : index
    %get3A_38 = arith.constant 0 : index
    %get3A_39 = vector.load %arg8[%get3A_37, %get3A_38] : memref<1x128xf32, #tpu.memory_space<vmem>>, vector<1x128xf32>
    %add3A_40 = vector.broadcast %get3A_39 : vector<1x128xf32> to vector<2000x128xf32>
    %add3A_41 = arith.addf %dot_general3A_36, %add3A_40 : vector<2000x128xf32>
    %swap3A_42 = arith.constant 0 : index
    %swap3A_43 = arith.constant 0 : index
    %swap3A_44 = vector.load %arg10[%swap3A_42, %swap3A_43] : memref<2000x128xf32, #tpu.memory_space<vmem>>, vector<2000x128xf32>
    tpu.vector_store %arg10[%swap3A_42, %swap3A_43], %add3A_41 {strides = array<i32>} : memref<2000x128xf32, #tpu.memory_space<vmem>>, vector<2000x128xf32>,
    return
  }
  func.func @transform_0(%arg0: i32) -> (i32, i32, i32) {
    %c0_i32 = arith.constant 0 : i32
    %c0_i32_0 = arith.constant 0 : i32
    %c0_i32_1 = arith.constant 0 : i32
    return %c0_i32, %arg0, %c0_i32_0 : i32, i32, i32
  }
  func.func @transform_1(%arg0: i32) -> (i32, i32, i32) {
    %c1_i32 = arith.constant 1 : i32
    %c0_i32 = arith.constant 0 : i32
    %c0_i32_0 = arith.constant 0 : i32
    return %c1_i32, %arg0, %c0_i32 : i32, i32, i32
  }
  func.func @transform_2(%arg0: i32) -> (i32, i32) {
    %c0_i32 = arith.constant 0 : i32
    %c0_i32_0 = arith.constant 0 : i32
    return %arg0, %c0_i32 : i32, i32
  }
  func.func @transform_3(%arg0: i32) -> (i32, i32) {
    %c0_i32 = arith.constant 0 : i32
    %c0_i32_0 = arith.constant 0 : i32
    return %arg0, %c0_i32 : i32, i32
  }
  func.func @transform_4(%arg0: i32) -> (i32, i32) {
    %c0_i32 = arith.constant 0 : i32
    %c0_i32_0 = arith.constant 0 : i32
    return %arg0, %c0_i32 : i32, i32
  }
  func.func @transform_5(%arg0: i32) -> (i32, i32) {
    %c0_i32 = arith.constant 0 : i32
    %c0_i32_0 = arith.constant 0 : i32
    %c0_i32_1 = arith.constant 0 : i32
    return %c0_i32, %c0_i32_0 : i32, i32
  }
  func.func @transform_6(%arg0: i32) -> (i32, i32) {
    %c0_i32 = arith.constant 0 : i32
    %c0_i32_0 = arith.constant 0 : i32
    %c0_i32_1 = arith.constant 0 : i32
    return %c0_i32, %c0_i32_0 : i32, i32
  }
  func.func @transform_7(%arg0: i32) -> (i32, i32) {
    %c0_i32 = arith.constant 0 : i32
    %c0_i32_0 = arith.constant 0 : i32
    %c0_i32_1 = arith.constant 0 : i32
    return %c0_i32, %c0_i32_0 : i32, i32
  }
  func.func @transform_8(%arg0: i32) -> (i32, i32) {
    %c0_i32 = arith.constant 0 : i32
    %c0_i32_0 = arith.constant 0 : i32
    return %arg0, %c0_i32 : i32, i32
  }
  func.func @transform_9(%arg0: i32) -> (i32, i32) {
    %c0_i32 = arith.constant 0 : i32
    %c0_i32_0 = arith.constant 0 : i32
    return %arg0, %c0_i32 : i32, i32
  }
}

module attributes {stable_mosaic.version = 14 : i64} {
  func.func @_combine_body(%arg0: i32, %arg1: memref<1x2000x128xf32, #tpu.memory_space<vmem>>, %arg2: memref<1x2000x128xf32, #tpu.memory_space<vmem>>, %arg3: memref<2000x1xf32, #tpu.memory_space<vmem>>, %arg4: memref<2000x1xf32, #tpu.memory_space<vmem>>, %arg5: memref<2000x128xf32, #tpu.memory_space<vmem>>, %arg6: memref<2000x128xf32, #tpu.memory_space<vmem>>) attributes {dimension_semantics = [#tpu.dimension_semantics<arbitrary>], iteration_bounds = array<i64: 5>, scalar_prefetch = 0 : i64, scratch_operands = 0 : i64, tpu.core_type = #tpu.core_type<tc>, window_params = [{transform_indices = @transform_0, window_bounds = array<i64: 1, 2000, 128>}, {transform_indices = @transform_1, window_bounds = array<i64: 1, 2000, 128>}, {transform_indices = @transform_2, window_bounds = array<i64: 2000, 1>}, {transform_indices = @transform_3, window_bounds = array<i64: 2000, 1>}, {transform_indices = @transform_4, window_bounds = array<i64: 2000, 128>}, {transform_indices = @transform_5, window_bounds = array<i64: 2000, 128>}]} {
    %get3A = arith.constant 0 : index
    %get3A_0 = arith.constant 0 : index
    %get3A_1 = vector.load %arg3[%get3A, %get3A_0] : memref<2000x1xf32, #tpu.memory_space<vmem>>, vector<2000x1xf32>
    %get3A_2 = arith.constant 0 : index
    %get3A_3 = arith.constant 0 : index
    %get3A_4 = vector.load %arg4[%get3A_2, %get3A_3] : memref<2000x1xf32, #tpu.memory_space<vmem>>, vector<2000x1xf32>
    %add3A = arith.addf %get3A_1, %get3A_4 : vector<2000x1xf32>
    %max3A = arith.constant 1.000000e+00 : f32
    %max3A_5 = vector.broadcast %max3A : f32 to vector<2000x1xf32>
    %max3A_6 = arith.maximumf %add3A, %max3A_5 : vector<2000x1xf32>
    %get3A_7 = arith.constant 0 : index
    %get3A_8 = arith.constant 0 : index
    %get3A_9 = arith.constant 0 : index
    %get3A_10 = vector.load %arg1[%get3A_7, %get3A_8, %get3A_9] : memref<1x2000x128xf32, #tpu.memory_space<vmem>>, vector<1x2000x128xf32>
    %get3A_11 = vector.shape_cast %get3A_10 : vector<1x2000x128xf32> to vector<2000x128xf32>
    %get3A_12 = arith.constant 0 : index
    %get3A_13 = arith.constant 0 : index
    %get3A_14 = arith.constant 0 : index
    %get3A_15 = vector.load %arg2[%get3A_12, %get3A_13, %get3A_14] : memref<1x2000x128xf32, #tpu.memory_space<vmem>>, vector<1x2000x128xf32>
    %get3A_16 = vector.shape_cast %get3A_15 : vector<1x2000x128xf32> to vector<2000x128xf32>
    %add3A_17 = arith.addf %get3A_11, %get3A_16 : vector<2000x128xf32>
    %div3A = vector.broadcast %max3A_6 : vector<2000x1xf32> to vector<2000x128xf32>
    %div3A_18 = arith.divf %add3A_17, %div3A : vector<2000x128xf32>
    %get3A_19 = arith.constant 0 : index
    %get3A_20 = arith.constant 0 : index
    %get3A_21 = vector.load %arg5[%get3A_19, %get3A_20] : memref<2000x128xf32, #tpu.memory_space<vmem>>, vector<2000x128xf32>
    %add3A_22 = arith.addf %div3A_18, %get3A_21 : vector<2000x128xf32>
    %reduce_max3A = arith.constant dense<0xFF800000> : vector<2000xf32>
    %reduce_max3A_23 = vector.multi_reduction <maximumf>, %add3A_22, %reduce_max3A [1] : vector<2000x128xf32> to vector<2000xf32>
    %broadcast_in_dim3A = vector.shape_cast %reduce_max3A_23 : vector<2000xf32> to vector<2000x1xf32>
    %sub3A = vector.broadcast %broadcast_in_dim3A : vector<2000x1xf32> to vector<2000x128xf32>
    %sub3A_24 = arith.subf %add3A_22, %sub3A : vector<2000x128xf32>
    %exp3A = math.exp %sub3A_24 : vector<2000x128xf32>
    %reduce_sum3A = arith.constant dense<0.000000e+00> : vector<2000xf32>
    %reduce_sum3A_25 = vector.multi_reduction <add>, %exp3A, %reduce_sum3A [1] : vector<2000x128xf32> to vector<2000xf32>
    %broadcast_in_dim3A_26 = vector.shape_cast %reduce_sum3A_25 : vector<2000xf32> to vector<2000x1xf32>
    %log3A = math.log %broadcast_in_dim3A_26 : vector<2000x1xf32>
    %sub3A_27 = vector.broadcast %log3A : vector<2000x1xf32> to vector<2000x128xf32>
    %sub3A_28 = arith.subf %sub3A_24, %sub3A_27 : vector<2000x128xf32>
    %swap3A = arith.constant 0 : index
    %swap3A_29 = arith.constant 0 : index
    %swap3A_30 = vector.load %arg6[%swap3A, %swap3A_29] : memref<2000x128xf32, #tpu.memory_space<vmem>>, vector<2000x128xf32>
    tpu.vector_store %arg6[%swap3A, %swap3A_29], %sub3A_28 {strides = array<i32>} : memref<2000x128xf32, #tpu.memory_space<vmem>>, vector<2000x128xf32>,
    return
  }
  func.func @transform_0(%arg0: i32) -> (i32, i32, i32) {
    %c0_i32 = arith.constant 0 : i32
    %c0_i32_0 = arith.constant 0 : i32
    %c0_i32_1 = arith.constant 0 : i32
    return %c0_i32, %arg0, %c0_i32_0 : i32, i32, i32
  }
  func.func @transform_1(%arg0: i32) -> (i32, i32, i32) {
    %c1_i32 = arith.constant 1 : i32
    %c0_i32 = arith.constant 0 : i32
    %c0_i32_0 = arith.constant 0 : i32
    return %c1_i32, %arg0, %c0_i32 : i32, i32, i32
  }
  func.func @transform_2(%arg0: i32) -> (i32, i32) {
    %c0_i32 = arith.constant 0 : i32
    %c0_i32_0 = arith.constant 0 : i32
    return %arg0, %c0_i32 : i32, i32
  }
  func.func @transform_3(%arg0: i32) -> (i32, i32) {
    %c0_i32 = arith.constant 0 : i32
    %c0_i32_0 = arith.constant 0 : i32
    return %arg0, %c0_i32 : i32, i32
  }
  func.func @transform_4(%arg0: i32) -> (i32, i32) {
    %c0_i32 = arith.constant 0 : i32
    %c0_i32_0 = arith.constant 0 : i32
    return %arg0, %c0_i32 : i32, i32
  }
  func.func @transform_5(%arg0: i32) -> (i32, i32) {
    %c0_i32 = arith.constant 0 : i32
    %c0_i32_0 = arith.constant 0 : i32
    return %arg0, %c0_i32 : i32, i32
  }
}

</mosaic_0001>

<sc_bundles>
// kernel: kernel.12.cloned.1.call-start
scs
__scs_entry_jumppad:
0x0: {  	(pc) =	sbr.rel $0x88, $3  }
0x1: {  	(tag) =	ssettag $0x0;
	lr =	simm.s32 $0x1  }
0x2: {  	[smem:$0x3F96] =	sst lr;
	_ =	strace $0xD0000000  }
0x3: {  	_ = 	snop  }
0x4: {  	_ = 	snop  }
0x5: {  	_ = 	snop  }
0x6: {  	_ = 	snop  }
0x7: {  	_ = 	snop  }
__scs_overlays_trampoline_lowered:
0x8: {  	[smem:$0x3FA5] =	sst s0  }
0x9: {  	[smem:$0x3FA6] =	sst s1  }
0xa: {  	[smem:$0x3FA7] =	sst s2  }
0xb: {  	[smem:$0x3FA8] =	sst s3  }
0xc: {  	[smem:$0x3FA9] =	sst s4  }
0xd: {  	[smem:$0x3FAA] =	sst s5  }
0xe: {  	[smem:$0x3FAB] =	sst s6  }
0xf: {  	[smem:$0x3FAC] =	sst s7  }
0x10: {  	[smem:$0x3FAD] =	sst s8  }
0x11: {  	[smem:$0x3FAE] =	sst s9;
	s0 =	simm.s32 @!p0 $0x0  }
0x12: {  	s1 =	sld [smem:$0x3F94];
	s0 =	simm.s32 @p0 $0x1  }
0x13: {  	[smem:$0x3FAF] =	sst s0;
	s0 =	simm.s32 @!p1 $0x0  }
0x14: {  	s2 =	sld [smem:$0x3F93];
	s0 =	simm.s32 @p1 $0x1  }
0x15: {  	[smem:$0x3FB0] =	sst s0;
	s0 =	simm.s32 @!p2 $0x0  }
0x16: {  	s3 =	sld [smem:$0x3FDB];
	s0 =	simm.s32 @p2 $0x1  }
0x17: {  	s4 =	simm.s32 $0x1BF5;
	[smem:$0x3FB2] =	sst s0  }
0x18: {  	s0 =	sld [smem:$0x3F95];
	_ =	swait.ge [sflag:s4], $0x0  }
0x19: {  	s7 =	sld [smem:$0x3F96]  }
0x1a: {  	s8 =	sadd.s32 $0xFFFFE003, lr  }
0x1b: {  	s9 =	sadd.s32 $0xFFFFFEF7, lr;
	s5 =	simm.s32 $0xFFFFFFFF;
	p2 =	slt.u32 s8, $0xFFFFF086  }
0x1c: {  	p1 =	slt.u32 s9, $0xF7A;
	s5 =	simm.s32 @!p2 $0x0  }
0x1d: {  	s5 =	simm.s32 @p1 $0x1;
	p0 =	seq.s32 s7, s2  }
0x1e: {  	s7 =	smul.u32 @!p0 $0xF7A, s2;
	p2 =	seq.s32 @!p0 s5, $0x0  }
0x1f: {  	s9 =	smul.u32 $0xF7A, s1;
	s8 =	simm.s32 @!p0 $0x1BF5;
	p2 =	por !p2, p0  }
0x20: {  	[sflag:s8] =	ssyncset.s32 @!p0 $0xFFFFF086;
	s6 =	sadd.s32 @!p0 s3, s7;
	s7 =	simm.s32 @!p0 $0x108  }
0x21: {  	s3 =	sadd.s32 s3, s9;
	s6 =	sadd.s32 @!p0 $0x88, s6;
	s7 =	simm.s32 @p2 $0x1082  }
0x22: {  	[simem:s7], [sflag:s8] =	dma.local @!p0 [hbm:s6], $0xF7A  }
0x23: {  	s9 =	sor.u32 $0xD0000000, s2;
	s6 =	simm.s32 $0x108;
	_ =	swait.ge @!p0 [sflag:s8], $0x0  }
0x24: {  	s3 =	sadd.s32 $0x88, s3;
	s6 =	simm.s32 @!p1 $0x1082;
	[sflag:s4] =	ssyncset.s32 $0xFFFFF086  }
0x25: {  	[simem:s6], [sflag:s4] =	dma.local [hbm:s3], $0xF7A  }
0x26: {  	[smem:$0x3F96] =	sst s1;
	(tag) =	ssettag s2;
	_ =	strace s9  }
0x27: {  	s1 =	sld [smem:$0x3FA6]  }
0x28: {  	s2 =	sld [smem:$0x3FA7]  }
0x29: {  	s4 =	sld [smem:$0x3FA9]  }
0x2a: {  	p0 =	seq.s32 s5, $0x0;
	s5 =	sld [smem:$0x3FAA]  }
0x2b: {  	s6 =	sld [smem:$0x3FAB]  }
0x2c: {  	s7 =	sld [smem:$0x3FAC]  }
0x2d: {  	s3 =	simm.s32 $0x108;
	s8 =	sld [smem:$0x3FAD]  }
0x2e: {  	s3 =	simm.s32 @!p0 $0x1082;
	s9 =	sld [smem:$0x3FAE]  }
0x2f: {  	lr =	sadd.s32 s0, s3;
	s0 =	sld [smem:$0x3FA5]  }
0x30: {  	s3 =	sld [smem:$0x3FA8]  }
0x31: {  	[smem:$0x3FB1] =	sst s10  }
0x32: {  	s10 =	sld [smem:$0x3FAF];
	_ =	sdelay $0x3  }
0x33: {  	p0 =	seq.s32 s10, $0x1;
	s10 =	sld [smem:$0x3FB1];
	_ =	sdelay $0x3  }
0x34: {  	[smem:$0x3FB1] =	sst s10  }
0x35: {  	s10 =	sld [smem:$0x3FB0];
	_ =	sdelay $0x3  }
0x36: {  	p1 =	seq.s32 s10, $0x1;
	s10 =	sld [smem:$0x3FB1];
	_ =	sdelay $0x3  }
0x37: {  	[smem:$0x3FB1] =	sst s10  }
0x38: {  	s10 =	sld [smem:$0x3FB2]  }
0x39: {  	_ = 	snop;
	(pc) =	sbr.ind lr, $3  }
0x3a: {  	_ = 	snop  }
0x3b: {  	_ = 	snop  }
0x3c: {  	p2 =	seq.s32 s10, $0x1;
	s10 =	sld [smem:$0x3FB1]  }
0x3d: {  	_ =	shalt  }
0x3e: {  	_ =	shalt  }
0x3f: {  	_ =	shalt  }
0x40: {  	_ =	shalt  }
0x41: {  	_ =	shalt  }
0x42: {  	_ =	shalt  }
0x43: {  	_ =	shalt  }
0x44: {  	_ =	shalt  }
0x45: {  	_ =	shalt  }
0x46: {  	_ =	shalt  }
0x47: {  	_ =	shalt  }
0x48: {  	_ =	shalt  }
0x49: {  	_ =	shalt  }
0x4a: {  	_ =	shalt  }
0x4b: {  	_ =	shalt  }
0x4c: {  	_ =	shalt  }
0x4d: {  	_ =	shalt  }
0x4e: {  	_ =	shalt  }
0x4f: {  	_ =	shalt  }
0x50: {  	_ =	shalt  }
0x51: {  	_ =	shalt  }
0x52: {  	_ =	shalt  }
0x53: {  	_ =	shalt  }
0x54: {  	_ =	shalt  }
0x55: {  	_ =	shalt  }
0x56: {  	_ =	shalt  }
0x57: {  	_ =	shalt  }
0x58: {  	_ =	shalt  }
0x59: {  	_ =	shalt  }
0x5a: {  	_ =	shalt  }
0x5b: {  	_ =	shalt  }
0x5c: {  	_ =	shalt  }
0x5d: {  	_ =	shalt  }
0x5e: {  	_ =	shalt  }
0x5f: {  	_ =	shalt  }
0x60: {  	_ =	shalt  }
0x61: {  	_ =	shalt  }
0x62: {  	_ =	shalt  }
0x63: {  	_ =	shalt  }
0x64: {  	_ =	shalt  }
0x65: {  	_ =	shalt  }
0x66: {  	_ =	shalt  }
0x67: {  	_ =	shalt  }
0x68: {  	_ =	shalt  }
0x69: {  	_ =	shalt  }
0x6a: {  	_ =	shalt  }
0x6b: {  	_ =	shalt  }
0x6c: {  	_ =	shalt  }
0x6d: {  	_ =	shalt  }
0x6e: {  	_ =	shalt  }
0x6f: {  	_ =	shalt  }
0x70: {  	_ =	shalt  }
0x71: {  	_ =	shalt  }
0x72: {  	_ =	shalt  }
0x73: {  	_ =	shalt  }
0x74: {  	_ =	shalt  }
0x75: {  	_ =	shalt  }
0x76: {  	_ =	shalt  }
0x77: {  	_ =	shalt  }
0x78: {  	_ =	shalt  }
0x79: {  	_ =	shalt  }
0x7a: {  	_ =	shalt  }
0x7b: {  	_ =	shalt  }
0x7c: {  	_ =	shalt  }
0x7d: {  	_ =	shalt  }
0x7e: {  	_ =	shalt  }
0x7f: {  	_ =	shalt  }
0x80: {  	_ =	shalt  }
0x81: {  	_ =	shalt  }
0x82: {  	_ =	shalt  }
0x83: {  	_ =	shalt  }
0x84: {  	_ =	shalt  }
0x85: {  	_ =	shalt  }
0x86: {  	_ =	shalt  }
0x87: {  	_ =	shalt  }
.Lfunc_end0:
.L_simem_size_0:
called_computation.1_lowered:
.L_overlay_start_0:
0x88: {  	s2 =	sld [smem:$0x3FD9]  }
0x89: {  	s3 =	sld [smem:$0x3FFE];
	_ =	sdelay $0x1  }
0x8a: {  	s1 =	srdreg.scid  }
0x8b: {  	s0 =	sand.u32 $0x1, s1  }
0x8c: {  	s17 =	sshll.u32 s0, $0xA;
	s2 =	sadd.s32 s3, s2  }
0x8d: {  	s2 =	sadd.s32 s2, s17  }
0x8e: {  	[smem:$0x3FBD] =	sst s2  }
0x8f: {  	_ = 	snop  }
0x90: {  	s2 =	sld [smem:$0x3FD0];
	(tm) =	ssettm $0x1  }
0x91: {  	s18 =	sld [smem:$0x3FFB];
	_ =	sdelay $0x3  }
0x92: {  	_ =	strace s18  }
0x93: {  	s3 =	sld [smem:$0x3FFC];
	_ =	sdelay $0x3  }
0x94: {  	_ =	strace s3  }
0x95: {  	s3 =	sld [smem:$0x3FFD];
	_ =	sdelay $0x3  }
0x96: {  	_ =	strace s3  }
0x97: {  	_ =	strace $0x8FFFFFFF  }
0x98: {  	s19 =	sld [smem:$0x3FDB];
	_ =	sdelay $0x1  }
0x99: {  	s4 =	simm.s32 $_scs_section_size  }
0x9a: {  	s5 =	simm.s32 $_size__tile_overlayer_lowered;
	s6 =	simm.s32 $_tile_overlayer_lowered  }
0x9b: {  	s22 =	simm.s32 $0x1BFF;
	s21 =	sshll.u32 s6, $0x1;
	s3 =	sadd.s32 s4, s19  }
0x9c: {  	s7 =	simm.s32 $0x0;
	s20 =	sshll.u32 s5, $0x1;
	s5 =	sadd.s32 s21, s3  }
0x9d: {  	[timem:s7], [sflag:s22] =	dma.local [hbm:s5], s20  }
0x9e: {  	_ =	swait.ge [sflag:s22], s20  }
0x9f: {  	s4 =	ssub.s32 $0x0, s20;
	[sflag:s22] =	ssyncset.done $0x0  }
0xa0: {  	[sflag:s22] =	ssyncadd.s32 s4;
	_ =	sdelay $0x1  }
0xa1: {  	s23 =	simm.s32 $0x1B8B  }
0xa2: {  	_ =	swait.ge [sflag:s23], $0x1  }
0xa3: {  	[sflag:s23] =	ssyncset.done $0x0  }
0xa4: {  	s25 =	simm.s32 $0x1B8E;
	s24 =	sld [smem:$0x3FFE];
	[sflag:s23] =	ssyncadd.s32 $0xFFFFFFFF  }
0xa5: {  	s26 =	simm.s32 $execute0_lowered;
	[smem:$0x3FD2] =	sst s25  }
0xa6: {  	s5 =	sshll.u32 s26, $0x1;
	_ =	strace $0x80000049;
	[dreg:$0x1] =	wrdreg $0xFFFFFFFF  }
0xa7: {  	s28 =	simm.s32 $_size_execute0_lowered;
	s3 =	sadd.s32 s3, s5;
	[dreg:$0x0] =	wrdreg $0x0  }
0xa8: {  	s5 =	sshll.u32 s28, $0x1;
	[dreg:$0x2] =	wrdreg s3  }
0xa9: {  	[dreg:$0x3] =	wrdreg s5  }
0xaa: {  	[dreg:$0x4] =	wrdreg $0xC0  }
0xab: {  	_ =	task [dreg:s7], $0x5FFFF  }
0xac: {  	[dreg:$0x1] =	wrdreg $0xFFFFFFFF  }
0xad: {  	[dreg:$0x0] =	wrdreg $0x60  }
0xae: {  	[dreg:$0x2] =	wrdreg s2  }
0xaf: {  	[dreg:$0x3] =	wrdreg s24  }
0xb0: {  	[dreg:$0x4] =	wrdreg $0x0  }
0xb1: {  	[dreg:$0x5] =	wrdreg $0x9  }
0xb2: {  	_ =	task.clear_ibuf [dreg:s7], $0x6FFFF;
	_ =	strace $0x90000049  }
0xb3: {  	s29 =	simm.s32 $0x9;
	_ =	strace $0x8000004B  }
0xb4: {  	_ =	swait.ge [sflag:s29], $0x1  }
0xb5: {  	[sflag:s29] =	ssyncadd.s32 $0xFFFFFFFF  }
0xb6: {  	_ =	strace $0x9000004B  }
0xb7: {  	_ =	sfence  }
0xb8: {  	s30 =	sld [smem:$0x0];
	_ =	sdelay $0x2  }
0xb9: {  	s31 =	sshll.u32 s1, $0xD;
	s1 =	sshrl.u32 s1, $0x2  }
0xba: {  	s3 =	sand.u32 $0x4000, s31;
	s1 =	sadd.s32 s1, s30  }
0xbb: {  	s0 =	sor.u32 s3, s0;
	s1 =	sshll.u32 s1, $0x11  }
0xbc: {  	s0 =	sor.u32 s1, s0  }
0xbd: {  	s0 =	sadd.s32 $0x8F2B, s0  }
0xbe: {  	[sflag:s0] =	ssyncadd.remote.s32 $0x1  }
0xbf: {  	_ =	sfence.sel $0xFFFF  }
0xc0: {  	[dreg:$0x0] =	wrdreg $0xFFFFFFFF;
	(pc) =	sbr.abs _section_cstart, $3  }
0xc1: {  	[dreg:$0x1] =	wrdreg $0xFFFFFFFF  }
0xc2: {  	_ =	task.clear_ibuf [dreg:s7], $0x2FFFF;
	_ =	strace $0x9FFFFFFF  }
0xc3: {  	(tm) =	ssettm $0x7FFFFFFF  }
tec
execute0_lowered:
.L_overlay_start_1:
0x0: {  	(tag) =	ssettag $0x1  }
0x1: {  	s1 =	rddreg [dreg:$0x0]  }
0x2: {  	s0 =	srdreg.scid;
	s7 =	rddreg [dreg:$0x1]  }
0x3: {  	s3 =	rddreg [dreg:$0x2];
	s4 =	simm.s32 $0x0;
	s13 =	simm.s32 $0x400  }
0x4: {  	s14 =	simm.s32 $0x14000;
	s15 =	simm.s32 $0x16780;
	s16 =	simm.s32 $0x50  }
0x5: {  	s17 =	simm.s32 $0x1A780;
	s18 =	simm.s32 $0x1CF80;
	s19 =	simm.s32 $0x1  }
0x6: {  	s20 =	simm.s32 $0x2;
	s21 =	simm.s32 $0x1A580;
	s5 =	sand.u32 $0x1, s0  }
0x7: {  	s0 =	stileid.u32;
	[smem:$0x7FF] =	sst s4;
	s2 =	sshll.u32 s5, $0x4  }
0x8: {  	s9 =	sshll.u32 s0, $0x7;
	s26 =	smul.u32 $0x28000, s5;
	s28 =	ssub.s32 $0x2, s5  }
0x9: {  	s11 =	smul.u32 $0x50000, s0;
	s5 =	sadd.s32 $0x1D200, s7;
	s31 =	sshll.u32 s0, $0x6  }
0xa: {  	s23 =	smul.u32 $0x2800, s0;
	s6 =	sor.u32 s0, s2;
	s9 =	sand.u32 $0x380, s9  }
0xb: {  	s29 =	sshrl.u32 s28, $0x1;
	s2 =	sshrl.u32 s6, $0x3;
	s6 =	sshll.u32 s6, $0xB  }
0xc: {  	s12 =	ssub.s32 s28, s29;
	s30 =	sshrl.u32 s11, $0x2;
	s8 =	smul.u32 $0x13C00, s2  }
0xd: {  	s2 =	rddreg [dreg:$0x3];
	_ =	strace $0x8000004A;
	s10 =	sadd.s32 s6, s7  }
0xe: {  	s11 =	sadd.s32 s30, s3;
	s8 =	sor.u32 s9, s8;
	s9 =	sadd.s32 s26, s7  }
0xf: {  	s6 =	sor.u32 $0x1C03, s31;
	s8 =	sshrl.u32 s8, $0x3;
	s22 =	sadd.s32 $0x1FA00, s9  }
0x10: {  	s9 =	smax.u32 s12, $0x1;
	s12 =	simm.s32 $0x80;
	s8 =	sadd.s32 s8, s7  }
0x11: {  	s22 =	sadd.s32 s23, s22;
	s23 =	simm.s32 $0x0;
	s7 =	sadd.s32 $0x13200, s8  }
0x12: {  	s8 =	sadd.s32 $0x3200, s10;
	s10 =	sshrl.u32 s11, $0x3;
	s11 =	simm.s32 $0x3  }
.LBB2_1:
0x13: {  	[spmem:s10], [sflag:s6] =	dma.local [hbm:s5], $0x2800  }
0x14: {  	_ =	swait.ge [sflag:s11], $0x2800  }
0x15: {  	[sflag:s11] =	ssyncset.done $0x0  }
0x16: {  	[sflag:s11] =	ssyncadd.s32 $0xFFFFD800  }
0x17: {  	[tilespmem:s14], [sflag:$0x3] =	stream.strided.gather [hbm4b:s7+s12], $0x2780, s13, s12, $0x38;
	[tilespmem:$0x1F780] =	vst v63  }
0x18: {  	_ =	swait.ge [sflag:s11], $0x2780  }
0x19: {  	[sflag:s11] =	ssyncset.done $0x0  }
0x1a: {  	[sflag:s11] =	ssyncadd.s32 $0xFFFFD880  }
0x1b: {  	[tilespmem:s15], [sflag:$0x3] =	stream.linear.gather [hbm4b:s8+s4], $0x3E80, $0x38;
	[tilespmem:$0x1F780] =	vst v63  }
0x1c: {  	_ =	swait.ge [sflag:s11], $0x3E80  }
0x1d: {  	[sflag:s11] =	ssyncset.done $0x0  }
0x1e: {  	[sflag:s11] =	ssyncadd.s32 $0xFFFFC180  }
0x1f: {  	[bflag:$0x0] =	sbarrier.arrive $0xFFFF  }
0x20: {  	[tilespmem:s17], [sflag:$0x1] =	stream.indirect.gather [hbm4b:s1+s16], $0x80, s14, s16, $0xb8;
	[tilespmem:$0x1F780] =	vst v63  }
0x21: {  	s24 =	simm.s32 $0x14050  }
0x22: {  	[tilespmem:s18], [sflag:$0x2] =	stream.indirect.gather [hbm4b:s1+s16], $0x80, s24, s16, $0xb8;
	[tilespmem:$0x1F780] =	vst v63  }
0x23: {  	_ =	swait.ge [sflag:s19], $0x2800  }
0x24: {  	[sflag:s19] =	ssyncset.done $0x0  }
0x25: {  	s25 =	simm.s32 $0x16780;
	[sflag:s19] =	ssyncadd.s32 $0xFFFFD800  }
0x26: {  	[spmem:s3] =	stream.indirect.scatter.add.f32 [tilespmem:s17], [sflag:$0x3], $0x80, s25, s16, $0xb8;
	[tilespmem:$0x1F780] =	vst v63  }
0x27: {  	_ =	swait.ge [sflag:s11], $0x2800  }
0x28: {  	[sflag:s11] =	ssyncset.done $0x0  }
0x29: {  	s30 =	simm.s32 $0x140A0;
	[sflag:s11] =	ssyncadd.s32 $0xFFFFD800  }
0x2a: {  	[tilespmem:s17], [sflag:$0x1] =	stream.indirect.gather [hbm4b:s1+s16], $0x80, s30, s16, $0xb8;
	[tilespmem:$0x1F780] =	vst v63  }
0x2b: {  	_ =	swait.ge [sflag:s20], $0x2800  }
0x2c: {  	[sflag:s20] =	ssyncset.done $0x0  }
0x2d: {  	s31 =	simm.s32 $0x16800;
	[sflag:s20] =	ssyncadd.s32 $0xFFFFD800  }
0x2e: {  	[spmem:s3] =	stream.indirect.scatter.add.f32 [tilespmem:s18], [sflag:$0x3], $0x80, s31, s16, $0xb8;
	[tilespmem:$0x1F780] =	vst v63  }
0x2f: {  	_ =	swait.ge [sflag:s11], $0x2800  }
0x30: {  	s25 =	simm.s32 $0x400;
	[sflag:s11] =	ssyncset.done $0x0  }
.LBB2_2:
0x31: {  	p0 =	sne.s32 s25, $0xF400;
	[sflag:s11] =	ssyncadd.s32 $0xFFFFD800;
	s24 =	sadd.s32 $0xA0, s24  }
0x32: {  	[tilespmem:s18], [sflag:$0x2] =	stream.indirect.gather [hbm4b:s1+s16], $0x80, s24, s16, $0xb8;
	[tilespmem:$0x1F780] =	vst v63  }
0x33: {  	s26 =	smov.u32 s25;
	s25 =	sadd.s32 $0x400, s25;
	_ =	swait.ge [sflag:s19], $0x2800  }
0x34: {  	s26 =	sshra.s32 s26, $0x2;
	[sflag:s19] =	ssyncset.done $0x0  }
0x35: {  	s28 =	sadd.s32 $0x16780, s26;
	[sflag:s19] =	ssyncadd.s32 $0xFFFFD800  }
0x36: {  	[spmem:s3] =	stream.indirect.scatter.add.f32 [tilespmem:s17], [sflag:$0x3], $0x80, s28, s16, $0xb8;
	[tilespmem:$0x1F780] =	vst v63  }
0x37: {  	_ =	swait.ge [sflag:s11], $0x2800  }
0x38: {  	[sflag:s11] =	ssyncset.done $0x0  }
0x39: {  	s28 =	sadd.s32 $0x50, s24;
	[sflag:s11] =	ssyncadd.s32 $0xFFFFD800  }
0x3a: {  	[tilespmem:s17], [sflag:$0x1] =	stream.indirect.gather [hbm4b:s1+s16], $0x80, s28, s16, $0xb8;
	[tilespmem:$0x1F780] =	vst v63  }
0x3b: {  	_ =	swait.ge [sflag:s20], $0x2800  }
.Ltmp0:
0x3c: {  	[sflag:s20] =	ssyncset.done $0x0;
	(pc) =	sbr.rel @p0 .LBB2_2-.Ltmp0, $4  }
0x3d: {  	s26 =	sadd.s32 $0x16800, s26;
	[sflag:s20] =	ssyncadd.s32 $0xFFFFD800  }
0x3e: {  	[spmem:s3] =	stream.indirect.scatter.add.f32 [tilespmem:s18], [sflag:$0x3], $0x80, s26, s16, $0xb8;
	[tilespmem:$0x1F780] =	vst v63  }
0x3f: {  	_ =	swait.ge [sflag:s11], $0x2800  }
0x40: {  	[sflag:s11] =	ssyncset.done $0x0  }
0x41: {  	[sflag:s11] =	ssyncadd.s32 $0xFFFFD800  }
0x42: {  	_ =	swait.ge [sflag:s19], $0x2800  }
0x43: {  	[sflag:s19] =	ssyncset.done $0x0  }
0x44: {  	[sflag:s19] =	ssyncadd.s32 $0xFFFFD800  }
0x45: {  	[spmem:s3] =	stream.indirect.scatter.add.f32 [tilespmem:s17], [sflag:$0x3], $0x80, s21, s16, $0xb8;
	[tilespmem:$0x1F780] =	vst v63  }
0x46: {  	_ =	swait.ge [sflag:s11], $0x2800  }
0x47: {  	s23 =	sadd.s32 $0x1, s23;
	[sflag:s11] =	ssyncset.done $0x0  }
0x48: {  	p0 =	sne.s32 s23, s9;
	[sflag:s11] =	ssyncadd.s32 $0xFFFFD800  }
.Ltmp1:
0x49: {  	[bflag:$0x0] =	sbarrier.arrive $0xFFFF;
	(pc) =	sbr.rel @p0 .LBB2_1-.Ltmp1, $4  }
0x4a: {  	[hbm:s22], [sflag:s6] =	dma.local [spmem:s10], $0x2800  }
0x4b: {  	_ =	swait.ge [sflag:s11], $0x2800  }
0x4c: {  	[sflag:s11] =	ssyncset.done $0x0  }
0x4d: {  	[sflag:s11] =	ssyncadd.s32 $0xFFFFD800  }
0x4e: {  	_ =	sfence.sel $0x180000  }
0x4f: {  	[bflag:$0x0] =	sbarrier.arrive $0xFFFF  }
0x50: {  	p0 =	sne.s32 s0, $0x0;
	_ =	strace $0x9000004A  }
0x51: {  	s0 =	sadd.s32 @!p0 $0x100000, s2;
	[bflag:$0x2] =	sbarrier.arrive $0xFFFF  }
0x52: {  	[sflag:s0] =	ssyncadd.tile.s32 @!p0 $0x1;
	_ =	shalt  }
.Lfunc_end2:
_tile_overlayer_lowered:
.L_overlay_start_2:
0x53: {  	(tag) =	ssettag $0x2  }
0x54: {  	s0 =	rddreg [dreg:$0x0];
	s2 =	stileid.u32  }
0x55: {  	s1 =	rddreg [dreg:$0x1];
	p0 =	sne.s32 s2, $0x0  }
0x56: {  	s3 =	rddreg [dreg:$0x2];
	[bflag:$0x3] =	sbarrier.arrive $0xFFFF;
	s2 =	simm.s32 @!p0 $0x1C03  }
0x57: {  	[timem:s3], [sflag:s2] =	dma.local @!p0 [hbm:s0], s1  }
0x58: {  	s0 =	simm.s32 @!p0 $0x3  }
0x59: {  	_ =	swait.ge @!p0 [sflag:s0], s1  }
0x5a: {  	s1 =	ssub.s32 @!p0 $0x0, s1;
	[sflag:s0] =	ssyncset.done @!p0 $0x0  }
0x5b: {  	[sflag:s0] =	ssyncadd.s32 @!p0 s1  }
0x5c: {  	[bflag:$0x3] =	sbarrier.arrive $0xFFFF  }
0x5d: {  	_ =	shalt  }

// kernel: kernel.15.cloned.1.call-start
scs
__scs_entry_jumppad:
0x0: {  	(pc) =	sbr.rel $0x88, $3  }
0x1: {  	(tag) =	ssettag $0x0;
	lr =	simm.s32 $0x1  }
0x2: {  	[smem:$0x3F96] =	sst lr;
	_ =	strace $0xD0000000  }
0x3: {  	_ = 	snop  }
0x4: {  	_ = 	snop  }
0x5: {  	_ = 	snop  }
0x6: {  	_ = 	snop  }
0x7: {  	_ = 	snop  }
__scs_overlays_trampoline_lowered:
0x8: {  	[smem:$0x3FA5] =	sst s0  }
0x9: {  	[smem:$0x3FA6] =	sst s1  }
0xa: {  	[smem:$0x3FA7] =	sst s2  }
0xb: {  	[smem:$0x3FA8] =	sst s3  }
0xc: {  	[smem:$0x3FA9] =	sst s4  }
0xd: {  	[smem:$0x3FAA] =	sst s5  }
0xe: {  	[smem:$0x3FAB] =	sst s6  }
0xf: {  	[smem:$0x3FAC] =	sst s7  }
0x10: {  	[smem:$0x3FAD] =	sst s8  }
0x11: {  	[smem:$0x3FAE] =	sst s9;
	s0 =	simm.s32 @!p0 $0x0  }
0x12: {  	s1 =	sld [smem:$0x3F94];
	s0 =	simm.s32 @p0 $0x1  }
0x13: {  	[smem:$0x3FAF] =	sst s0;
	s0 =	simm.s32 @!p1 $0x0  }
0x14: {  	s2 =	sld [smem:$0x3F93];
	s0 =	simm.s32 @p1 $0x1  }
0x15: {  	[smem:$0x3FB0] =	sst s0;
	s0 =	simm.s32 @!p2 $0x0  }
0x16: {  	s3 =	sld [smem:$0x3FDB];
	s0 =	simm.s32 @p2 $0x1  }
0x17: {  	s4 =	simm.s32 $0x1BF5;
	[smem:$0x3FB2] =	sst s0  }
0x18: {  	s0 =	sld [smem:$0x3F95];
	_ =	swait.ge [sflag:s4], $0x0  }
0x19: {  	s7 =	sld [smem:$0x3F96]  }
0x1a: {  	s8 =	sadd.s32 $0xFFFFE003, lr  }
0x1b: {  	s9 =	sadd.s32 $0xFFFFFEF7, lr;
	s5 =	simm.s32 $0xFFFFFFFF;
	p2 =	slt.u32 s8, $0xFFFFF086  }
0x1c: {  	p1 =	slt.u32 s9, $0xF7A;
	s5 =	simm.s32 @!p2 $0x0  }
0x1d: {  	s5 =	simm.s32 @p1 $0x1;
	p0 =	seq.s32 s7, s2  }
0x1e: {  	s7 =	smul.u32 @!p0 $0xF7A, s2;
	p2 =	seq.s32 @!p0 s5, $0x0  }
0x1f: {  	s9 =	smul.u32 $0xF7A, s1;
	s8 =	simm.s32 @!p0 $0x1BF5;
	p2 =	por !p2, p0  }
0x20: {  	[sflag:s8] =	ssyncset.s32 @!p0 $0xFFFFF086;
	s6 =	sadd.s32 @!p0 s3, s7;
	s7 =	simm.s32 @!p0 $0x108  }
0x21: {  	s3 =	sadd.s32 s3, s9;
	s6 =	sadd.s32 @!p0 $0x88, s6;
	s7 =	simm.s32 @p2 $0x1082  }
0x22: {  	[simem:s7], [sflag:s8] =	dma.local @!p0 [hbm:s6], $0xF7A  }
0x23: {  	s9 =	sor.u32 $0xD0000000, s2;
	s6 =	simm.s32 $0x108;
	_ =	swait.ge @!p0 [sflag:s8], $0x0  }
0x24: {  	s3 =	sadd.s32 $0x88, s3;
	s6 =	simm.s32 @!p1 $0x1082;
	[sflag:s4] =	ssyncset.s32 $0xFFFFF086  }
0x25: {  	[simem:s6], [sflag:s4] =	dma.local [hbm:s3], $0xF7A  }
0x26: {  	[smem:$0x3F96] =	sst s1;
	(tag) =	ssettag s2;
	_ =	strace s9  }
0x27: {  	s1 =	sld [smem:$0x3FA6]  }
0x28: {  	s2 =	sld [smem:$0x3FA7]  }
0x29: {  	s4 =	sld [smem:$0x3FA9]  }
0x2a: {  	p0 =	seq.s32 s5, $0x0;
	s5 =	sld [smem:$0x3FAA]  }
0x2b: {  	s6 =	sld [smem:$0x3FAB]  }
0x2c: {  	s7 =	sld [smem:$0x3FAC]  }
0x2d: {  	s3 =	simm.s32 $0x108;
	s8 =	sld [smem:$0x3FAD]  }
0x2e: {  	s3 =	simm.s32 @!p0 $0x1082;
	s9 =	sld [smem:$0x3FAE]  }
0x2f: {  	lr =	sadd.s32 s0, s3;
	s0 =	sld [smem:$0x3FA5]  }
0x30: {  	s3 =	sld [smem:$0x3FA8]  }
0x31: {  	[smem:$0x3FB1] =	sst s10  }
0x32: {  	s10 =	sld [smem:$0x3FAF];
	_ =	sdelay $0x3  }
0x33: {  	p0 =	seq.s32 s10, $0x1;
	s10 =	sld [smem:$0x3FB1];
	_ =	sdelay $0x3  }
0x34: {  	[smem:$0x3FB1] =	sst s10  }
0x35: {  	s10 =	sld [smem:$0x3FB0];
	_ =	sdelay $0x3  }
0x36: {  	p1 =	seq.s32 s10, $0x1;
	s10 =	sld [smem:$0x3FB1];
	_ =	sdelay $0x3  }
0x37: {  	[smem:$0x3FB1] =	sst s10  }
0x38: {  	s10 =	sld [smem:$0x3FB2]  }
0x39: {  	_ = 	snop;
	(pc) =	sbr.ind lr, $3  }
0x3a: {  	_ = 	snop  }
0x3b: {  	_ = 	snop  }
0x3c: {  	p2 =	seq.s32 s10, $0x1;
	s10 =	sld [smem:$0x3FB1]  }
0x3d: {  	_ =	shalt  }
0x3e: {  	_ =	shalt  }
0x3f: {  	_ =	shalt  }
0x40: {  	_ =	shalt  }
0x41: {  	_ =	shalt  }
0x42: {  	_ =	shalt  }
0x43: {  	_ =	shalt  }
0x44: {  	_ =	shalt  }
0x45: {  	_ =	shalt  }
0x46: {  	_ =	shalt  }
0x47: {  	_ =	shalt  }
0x48: {  	_ =	shalt  }
0x49: {  	_ =	shalt  }
0x4a: {  	_ =	shalt  }
0x4b: {  	_ =	shalt  }
0x4c: {  	_ =	shalt  }
0x4d: {  	_ =	shalt  }
0x4e: {  	_ =	shalt  }
0x4f: {  	_ =	shalt  }
0x50: {  	_ =	shalt  }
0x51: {  	_ =	shalt  }
0x52: {  	_ =	shalt  }
0x53: {  	_ =	shalt  }
0x54: {  	_ =	shalt  }
0x55: {  	_ =	shalt  }
0x56: {  	_ =	shalt  }
0x57: {  	_ =	shalt  }
0x58: {  	_ =	shalt  }
0x59: {  	_ =	shalt  }
0x5a: {  	_ =	shalt  }
0x5b: {  	_ =	shalt  }
0x5c: {  	_ =	shalt  }
0x5d: {  	_ =	shalt  }
0x5e: {  	_ =	shalt  }
0x5f: {  	_ =	shalt  }
0x60: {  	_ =	shalt  }
0x61: {  	_ =	shalt  }
0x62: {  	_ =	shalt  }
0x63: {  	_ =	shalt  }
0x64: {  	_ =	shalt  }
0x65: {  	_ =	shalt  }
0x66: {  	_ =	shalt  }
0x67: {  	_ =	shalt  }
0x68: {  	_ =	shalt  }
0x69: {  	_ =	shalt  }
0x6a: {  	_ =	shalt  }
0x6b: {  	_ =	shalt  }
0x6c: {  	_ =	shalt  }
0x6d: {  	_ =	shalt  }
0x6e: {  	_ =	shalt  }
0x6f: {  	_ =	shalt  }
0x70: {  	_ =	shalt  }
0x71: {  	_ =	shalt  }
0x72: {  	_ =	shalt  }
0x73: {  	_ =	shalt  }
0x74: {  	_ =	shalt  }
0x75: {  	_ =	shalt  }
0x76: {  	_ =	shalt  }
0x77: {  	_ =	shalt  }
0x78: {  	_ =	shalt  }
0x79: {  	_ =	shalt  }
0x7a: {  	_ =	shalt  }
0x7b: {  	_ =	shalt  }
0x7c: {  	_ =	shalt  }
0x7d: {  	_ =	shalt  }
0x7e: {  	_ =	shalt  }
0x7f: {  	_ =	shalt  }
0x80: {  	_ =	shalt  }
0x81: {  	_ =	shalt  }
0x82: {  	_ =	shalt  }
0x83: {  	_ =	shalt  }
0x84: {  	_ =	shalt  }
0x85: {  	_ =	shalt  }
0x86: {  	_ =	shalt  }
0x87: {  	_ =	shalt  }
.Lfunc_end0:
.L_simem_size_0:
called_computation.2_lowered:
.L_overlay_start_0:
0x88: {  	s2 =	sld [smem:$0x3FD9]  }
0x89: {  	s3 =	sld [smem:$0x3FFE];
	_ =	sdelay $0x1  }
0x8a: {  	s1 =	srdreg.scid  }
0x8b: {  	s0 =	sand.u32 $0x1, s1  }
0x8c: {  	s17 =	sshll.u32 s0, $0xA;
	s2 =	sadd.s32 s3, s2  }
0x8d: {  	s2 =	sadd.s32 s2, s17  }
0x8e: {  	[smem:$0x3FBD] =	sst s2  }
0x8f: {  	_ = 	snop  }
0x90: {  	s2 =	sld [smem:$0x3FD0];
	(tm) =	ssettm $0x1  }
0x91: {  	s18 =	sld [smem:$0x3FFB];
	_ =	sdelay $0x3  }
0x92: {  	_ =	strace s18  }
0x93: {  	s3 =	sld [smem:$0x3FFC];
	_ =	sdelay $0x3  }
0x94: {  	_ =	strace s3  }
0x95: {  	s3 =	sld [smem:$0x3FFD];
	_ =	sdelay $0x3  }
0x96: {  	_ =	strace s3  }
0x97: {  	_ =	strace $0x8FFFFFFF  }
0x98: {  	s19 =	sld [smem:$0x3FDB];
	_ =	sdelay $0x1  }
0x99: {  	s4 =	simm.s32 $_scs_section_size  }
0x9a: {  	s5 =	simm.s32 $_size__tile_overlayer_lowered;
	s6 =	simm.s32 $_tile_overlayer_lowered  }
0x9b: {  	s22 =	simm.s32 $0x1BFF;
	s21 =	sshll.u32 s6, $0x1;
	s3 =	sadd.s32 s4, s19  }
0x9c: {  	s7 =	simm.s32 $0x0;
	s20 =	sshll.u32 s5, $0x1;
	s5 =	sadd.s32 s21, s3  }
0x9d: {  	[timem:s7], [sflag:s22] =	dma.local [hbm:s5], s20  }
0x9e: {  	_ =	swait.ge [sflag:s22], s20  }
0x9f: {  	s4 =	ssub.s32 $0x0, s20;
	[sflag:s22] =	ssyncset.done $0x0  }
0xa0: {  	[sflag:s22] =	ssyncadd.s32 s4;
	_ =	sdelay $0x1  }
0xa1: {  	s23 =	simm.s32 $0x1B8B  }
0xa2: {  	_ =	swait.ge [sflag:s23], $0x1  }
0xa3: {  	[sflag:s23] =	ssyncset.done $0x0  }
0xa4: {  	s25 =	simm.s32 $0x1B8E;
	s24 =	sld [smem:$0x3FFE];
	[sflag:s23] =	ssyncadd.s32 $0xFFFFFFFF  }
0xa5: {  	s26 =	simm.s32 $execute0_lowered;
	[smem:$0x3FD2] =	sst s25  }
0xa6: {  	s5 =	sshll.u32 s26, $0x1;
	_ =	strace $0x8000004C;
	[dreg:$0x1] =	wrdreg $0xFFFFFFFF  }
0xa7: {  	s28 =	simm.s32 $_size_execute0_lowered;
	s3 =	sadd.s32 s3, s5;
	[dreg:$0x0] =	wrdreg $0x0  }
0xa8: {  	s5 =	sshll.u32 s28, $0x1;
	[dreg:$0x2] =	wrdreg s3  }
0xa9: {  	[dreg:$0x3] =	wrdreg s5  }
0xaa: {  	[dreg:$0x4] =	wrdreg $0xC0  }
0xab: {  	_ =	task [dreg:s7], $0x5FFFF  }
0xac: {  	[dreg:$0x1] =	wrdreg $0xFFFFFFFF  }
0xad: {  	[dreg:$0x0] =	wrdreg $0x60  }
0xae: {  	[dreg:$0x2] =	wrdreg s2  }
0xaf: {  	[dreg:$0x3] =	wrdreg s24  }
0xb0: {  	[dreg:$0x4] =	wrdreg $0x0  }
0xb1: {  	[dreg:$0x5] =	wrdreg $0x9  }
0xb2: {  	_ =	task.clear_ibuf [dreg:s7], $0x6FFFF;
	_ =	strace $0x9000004C  }
0xb3: {  	s29 =	simm.s32 $0x9;
	_ =	strace $0x8000004E  }
0xb4: {  	_ =	swait.ge [sflag:s29], $0x1  }
0xb5: {  	[sflag:s29] =	ssyncadd.s32 $0xFFFFFFFF  }
0xb6: {  	_ =	strace $0x9000004E  }
0xb7: {  	_ =	sfence  }
0xb8: {  	s30 =	sld [smem:$0x0];
	_ =	sdelay $0x2  }
0xb9: {  	s31 =	sshll.u32 s1, $0xD;
	s1 =	sshrl.u32 s1, $0x2  }
0xba: {  	s3 =	sand.u32 $0x4000, s31;
	s1 =	sadd.s32 s1, s30  }
0xbb: {  	s0 =	sor.u32 s3, s0;
	s1 =	sshll.u32 s1, $0x11  }
0xbc: {  	s0 =	sor.u32 s1, s0  }
0xbd: {  	s0 =	sadd.s32 $0x8F2B, s0  }
0xbe: {  	[sflag:s0] =	ssyncadd.remote.s32 $0x1  }
0xbf: {  	_ =	sfence.sel $0xFFFF  }
0xc0: {  	[dreg:$0x0] =	wrdreg $0xFFFFFFFF;
	(pc) =	sbr.abs _section_cstart, $3  }
0xc1: {  	[dreg:$0x1] =	wrdreg $0xFFFFFFFF  }
0xc2: {  	_ =	task.clear_ibuf [dreg:s7], $0x2FFFF;
	_ =	strace $0x9FFFFFFF  }
0xc3: {  	(tm) =	ssettm $0x7FFFFFFF  }
tec
execute0_lowered:
.L_overlay_start_1:
0x0: {  	(tag) =	ssettag $0x1  }
0x1: {  	s1 =	rddreg [dreg:$0x0]  }
0x2: {  	s0 =	srdreg.scid;
	s7 =	rddreg [dreg:$0x1]  }
0x3: {  	s3 =	rddreg [dreg:$0x2];
	s4 =	simm.s32 $0x0;
	s13 =	simm.s32 $0x400  }
0x4: {  	s14 =	simm.s32 $0x14000;
	s15 =	simm.s32 $0x16780;
	s16 =	simm.s32 $0x50  }
0x5: {  	s17 =	simm.s32 $0x1A780;
	s18 =	simm.s32 $0x1CF80;
	s19 =	simm.s32 $0x1  }
0x6: {  	s20 =	simm.s32 $0x2;
	s21 =	simm.s32 $0x1A580;
	s5 =	sand.u32 $0x1, s0  }
0x7: {  	s0 =	stileid.u32;
	[smem:$0x7FF] =	sst s4;
	s2 =	sshll.u32 s5, $0x4  }
0x8: {  	s9 =	sshll.u32 s0, $0x7;
	s26 =	smul.u32 $0x28000, s5;
	s28 =	ssub.s32 $0x2, s5  }
0x9: {  	s11 =	smul.u32 $0x50000, s0;
	s5 =	sadd.s32 $0x1D200, s7;
	s31 =	sshll.u32 s0, $0x6  }
0xa: {  	s23 =	smul.u32 $0x2800, s0;
	s6 =	sor.u32 s0, s2;
	s9 =	sand.u32 $0x380, s9  }
0xb: {  	s29 =	sshrl.u32 s28, $0x1;
	s2 =	sshrl.u32 s6, $0x3;
	s6 =	sshll.u32 s6, $0xB  }
0xc: {  	s12 =	ssub.s32 s28, s29;
	s30 =	sshrl.u32 s11, $0x2;
	s8 =	smul.u32 $0x13C00, s2  }
0xd: {  	s2 =	rddreg [dreg:$0x3];
	_ =	strace $0x8000004D;
	s10 =	sadd.s32 s6, s7  }
0xe: {  	s11 =	sadd.s32 s30, s3;
	s8 =	sor.u32 s9, s8;
	s9 =	sadd.s32 s26, s7  }
0xf: {  	s6 =	sor.u32 $0x1C03, s31;
	s8 =	sshrl.u32 s8, $0x3;
	s22 =	sadd.s32 $0x1FA00, s9  }
0x10: {  	s9 =	smax.u32 s12, $0x1;
	s12 =	simm.s32 $0x80;
	s8 =	sadd.s32 s8, s7  }
0x11: {  	s22 =	sadd.s32 s23, s22;
	s23 =	simm.s32 $0x0;
	s7 =	sadd.s32 $0x13200, s8  }
0x12: {  	s8 =	sadd.s32 $0x3200, s10;
	s10 =	sshrl.u32 s11, $0x3;
	s11 =	simm.s32 $0x3  }
.LBB2_1:
0x13: {  	[spmem:s10], [sflag:s6] =	dma.local [hbm:s5], $0x2800  }
0x14: {  	_ =	swait.ge [sflag:s11], $0x2800  }
0x15: {  	[sflag:s11] =	ssyncset.done $0x0  }
0x16: {  	[sflag:s11] =	ssyncadd.s32 $0xFFFFD800  }
0x17: {  	[tilespmem:s14], [sflag:$0x3] =	stream.strided.gather [hbm4b:s7+s12], $0x2780, s13, s12, $0x38;
	[tilespmem:$0x1F780] =	vst v63  }
0x18: {  	_ =	swait.ge [sflag:s11], $0x2780  }
0x19: {  	[sflag:s11] =	ssyncset.done $0x0  }
0x1a: {  	[sflag:s11] =	ssyncadd.s32 $0xFFFFD880  }
0x1b: {  	[tilespmem:s15], [sflag:$0x3] =	stream.linear.gather [hbm4b:s8+s4], $0x3E80, $0x38;
	[tilespmem:$0x1F780] =	vst v63  }
0x1c: {  	_ =	swait.ge [sflag:s11], $0x3E80  }
0x1d: {  	[sflag:s11] =	ssyncset.done $0x0  }
0x1e: {  	[sflag:s11] =	ssyncadd.s32 $0xFFFFC180  }
0x1f: {  	[bflag:$0x0] =	sbarrier.arrive $0xFFFF  }
0x20: {  	[tilespmem:s17], [sflag:$0x1] =	stream.indirect.gather [hbm4b:s1+s16], $0x80, s14, s16, $0xb8;
	[tilespmem:$0x1F780] =	vst v63  }
0x21: {  	s24 =	simm.s32 $0x14050  }
0x22: {  	[tilespmem:s18], [sflag:$0x2] =	stream.indirect.gather [hbm4b:s1+s16], $0x80, s24, s16, $0xb8;
	[tilespmem:$0x1F780] =	vst v63  }
0x23: {  	_ =	swait.ge [sflag:s19], $0x2800  }
0x24: {  	[sflag:s19] =	ssyncset.done $0x0  }
0x25: {  	s25 =	simm.s32 $0x16780;
	[sflag:s19] =	ssyncadd.s32 $0xFFFFD800  }
0x26: {  	[spmem:s3] =	stream.indirect.scatter.add.f32 [tilespmem:s17], [sflag:$0x3], $0x80, s25, s16, $0xb8;
	[tilespmem:$0x1F780] =	vst v63  }
0x27: {  	_ =	swait.ge [sflag:s11], $0x2800  }
0x28: {  	[sflag:s11] =	ssyncset.done $0x0  }
0x29: {  	s30 =	simm.s32 $0x140A0;
	[sflag:s11] =	ssyncadd.s32 $0xFFFFD800  }
0x2a: {  	[tilespmem:s17], [sflag:$0x1] =	stream.indirect.gather [hbm4b:s1+s16], $0x80, s30, s16, $0xb8;
	[tilespmem:$0x1F780] =	vst v63  }
0x2b: {  	_ =	swait.ge [sflag:s20], $0x2800  }
0x2c: {  	[sflag:s20] =	ssyncset.done $0x0  }
0x2d: {  	s31 =	simm.s32 $0x16800;
	[sflag:s20] =	ssyncadd.s32 $0xFFFFD800  }
0x2e: {  	[spmem:s3] =	stream.indirect.scatter.add.f32 [tilespmem:s18], [sflag:$0x3], $0x80, s31, s16, $0xb8;
	[tilespmem:$0x1F780] =	vst v63  }
0x2f: {  	_ =	swait.ge [sflag:s11], $0x2800  }
0x30: {  	s25 =	simm.s32 $0x400;
	[sflag:s11] =	ssyncset.done $0x0  }
.LBB2_2:
0x31: {  	p0 =	sne.s32 s25, $0xF400;
	[sflag:s11] =	ssyncadd.s32 $0xFFFFD800;
	s24 =	sadd.s32 $0xA0, s24  }
0x32: {  	[tilespmem:s18], [sflag:$0x2] =	stream.indirect.gather [hbm4b:s1+s16], $0x80, s24, s16, $0xb8;
	[tilespmem:$0x1F780] =	vst v63  }
0x33: {  	s26 =	smov.u32 s25;
	s25 =	sadd.s32 $0x400, s25;
	_ =	swait.ge [sflag:s19], $0x2800  }
0x34: {  	s26 =	sshra.s32 s26, $0x2;
	[sflag:s19] =	ssyncset.done $0x0  }
0x35: {  	s28 =	sadd.s32 $0x16780, s26;
	[sflag:s19] =	ssyncadd.s32 $0xFFFFD800  }
0x36: {  	[spmem:s3] =	stream.indirect.scatter.add.f32 [tilespmem:s17], [sflag:$0x3], $0x80, s28, s16, $0xb8;
	[tilespmem:$0x1F780] =	vst v63  }
0x37: {  	_ =	swait.ge [sflag:s11], $0x2800  }
0x38: {  	[sflag:s11] =	ssyncset.done $0x0  }
0x39: {  	s28 =	sadd.s32 $0x50, s24;
	[sflag:s11] =	ssyncadd.s32 $0xFFFFD800  }
0x3a: {  	[tilespmem:s17], [sflag:$0x1] =	stream.indirect.gather [hbm4b:s1+s16], $0x80, s28, s16, $0xb8;
	[tilespmem:$0x1F780] =	vst v63  }
0x3b: {  	_ =	swait.ge [sflag:s20], $0x2800  }
.Ltmp0:
0x3c: {  	[sflag:s20] =	ssyncset.done $0x0;
	(pc) =	sbr.rel @p0 .LBB2_2-.Ltmp0, $4  }
0x3d: {  	s26 =	sadd.s32 $0x16800, s26;
	[sflag:s20] =	ssyncadd.s32 $0xFFFFD800  }
0x3e: {  	[spmem:s3] =	stream.indirect.scatter.add.f32 [tilespmem:s18], [sflag:$0x3], $0x80, s26, s16, $0xb8;
	[tilespmem:$0x1F780] =	vst v63  }
0x3f: {  	_ =	swait.ge [sflag:s11], $0x2800  }
0x40: {  	[sflag:s11] =	ssyncset.done $0x0  }
0x41: {  	[sflag:s11] =	ssyncadd.s32 $0xFFFFD800  }
0x42: {  	_ =	swait.ge [sflag:s19], $0x2800  }
0x43: {  	[sflag:s19] =	ssyncset.done $0x0  }
0x44: {  	[sflag:s19] =	ssyncadd.s32 $0xFFFFD800  }
0x45: {  	[spmem:s3] =	stream.indirect.scatter.add.f32 [tilespmem:s17], [sflag:$0x3], $0x80, s21, s16, $0xb8;
	[tilespmem:$0x1F780] =	vst v63  }
0x46: {  	_ =	swait.ge [sflag:s11], $0x2800  }
0x47: {  	s23 =	sadd.s32 $0x1, s23;
	[sflag:s11] =	ssyncset.done $0x0  }
0x48: {  	p0 =	sne.s32 s23, s9;
	[sflag:s11] =	ssyncadd.s32 $0xFFFFD800  }
.Ltmp1:
0x49: {  	[bflag:$0x0] =	sbarrier.arrive $0xFFFF;
	(pc) =	sbr.rel @p0 .LBB2_1-.Ltmp1, $4  }
0x4a: {  	[hbm:s22], [sflag:s6] =	dma.local [spmem:s10], $0x2800  }
0x4b: {  	_ =	swait.ge [sflag:s11], $0x2800  }
0x4c: {  	[sflag:s11] =	ssyncset.done $0x0  }
0x4d: {  	[sflag:s11] =	ssyncadd.s32 $0xFFFFD800  }
0x4e: {  	_ =	sfence.sel $0x180000  }
0x4f: {  	[bflag:$0x0] =	sbarrier.arrive $0xFFFF  }
0x50: {  	p0 =	sne.s32 s0, $0x0;
	_ =	strace $0x9000004D  }
0x51: {  	s0 =	sadd.s32 @!p0 $0x100000, s2;
	[bflag:$0x2] =	sbarrier.arrive $0xFFFF  }
0x52: {  	[sflag:s0] =	ssyncadd.tile.s32 @!p0 $0x1;
	_ =	shalt  }
.Lfunc_end2:
_tile_overlayer_lowered:
.L_overlay_start_2:
0x53: {  	(tag) =	ssettag $0x2  }
0x54: {  	s0 =	rddreg [dreg:$0x0];
	s2 =	stileid.u32  }
0x55: {  	s1 =	rddreg [dreg:$0x1];
	p0 =	sne.s32 s2, $0x0  }
0x56: {  	s3 =	rddreg [dreg:$0x2];
	[bflag:$0x3] =	sbarrier.arrive $0xFFFF;
	s2 =	simm.s32 @!p0 $0x1C03  }
0x57: {  	[timem:s3], [sflag:s2] =	dma.local @!p0 [hbm:s0], s1  }
0x58: {  	s0 =	simm.s32 @!p0 $0x3  }
0x59: {  	_ =	swait.ge @!p0 [sflag:s0], s1  }
0x5a: {  	s1 =	ssub.s32 @!p0 $0x0, s1;
	[sflag:s0] =	ssyncset.done @!p0 $0x0  }
0x5b: {  	[sflag:s0] =	ssyncadd.s32 @!p0 s1  }
0x5c: {  	[bflag:$0x3] =	sbarrier.arrive $0xFFFF  }
0x5d: {  	_ =	shalt  }

// kernel: kernel.9.cloned.1.call-start
scs
__scs_entry_jumppad:
0x0: {  	(pc) =	sbr.rel $0x88, $3  }
0x1: {  	(tag) =	ssettag $0x0;
	lr =	simm.s32 $0x1  }
0x2: {  	[smem:$0x3F96] =	sst lr;
	_ =	strace $0xD0000000  }
0x3: {  	_ = 	snop  }
0x4: {  	_ = 	snop  }
0x5: {  	_ = 	snop  }
0x6: {  	_ = 	snop  }
0x7: {  	_ = 	snop  }
__scs_overlays_trampoline_lowered:
0x8: {  	[smem:$0x3FA5] =	sst s0  }
0x9: {  	[smem:$0x3FA6] =	sst s1  }
0xa: {  	[smem:$0x3FA7] =	sst s2  }
0xb: {  	[smem:$0x3FA8] =	sst s3  }
0xc: {  	[smem:$0x3FA9] =	sst s4  }
0xd: {  	[smem:$0x3FAA] =	sst s5  }
0xe: {  	[smem:$0x3FAB] =	sst s6  }
0xf: {  	[smem:$0x3FAC] =	sst s7  }
0x10: {  	[smem:$0x3FAD] =	sst s8  }
0x11: {  	[smem:$0x3FAE] =	sst s9;
	s0 =	simm.s32 @!p0 $0x0  }
0x12: {  	s1 =	sld [smem:$0x3F94];
	s0 =	simm.s32 @p0 $0x1  }
0x13: {  	[smem:$0x3FAF] =	sst s0;
	s0 =	simm.s32 @!p1 $0x0  }
0x14: {  	s2 =	sld [smem:$0x3F93];
	s0 =	simm.s32 @p1 $0x1  }
0x15: {  	[smem:$0x3FB0] =	sst s0;
	s0 =	simm.s32 @!p2 $0x0  }
0x16: {  	s3 =	sld [smem:$0x3FDB];
	s0 =	simm.s32 @p2 $0x1  }
0x17: {  	s4 =	simm.s32 $0x1BF5;
	[smem:$0x3FB2] =	sst s0  }
0x18: {  	s0 =	sld [smem:$0x3F95];
	_ =	swait.ge [sflag:s4], $0x0  }
0x19: {  	s7 =	sld [smem:$0x3F96]  }
0x1a: {  	s8 =	sadd.s32 $0xFFFFE003, lr  }
0x1b: {  	s9 =	sadd.s32 $0xFFFFFEF7, lr;
	s5 =	simm.s32 $0xFFFFFFFF;
	p2 =	slt.u32 s8, $0xFFFFF086  }
0x1c: {  	p1 =	slt.u32 s9, $0xF7A;
	s5 =	simm.s32 @!p2 $0x0  }
0x1d: {  	s5 =	simm.s32 @p1 $0x1;
	p0 =	seq.s32 s7, s2  }
0x1e: {  	s7 =	smul.u32 @!p0 $0xF7A, s2;
	p2 =	seq.s32 @!p0 s5, $0x0  }
0x1f: {  	s9 =	smul.u32 $0xF7A, s1;
	s8 =	simm.s32 @!p0 $0x1BF5;
	p2 =	por !p2, p0  }
0x20: {  	[sflag:s8] =	ssyncset.s32 @!p0 $0xFFFFF086;
	s6 =	sadd.s32 @!p0 s3, s7;
	s7 =	simm.s32 @!p0 $0x108  }
0x21: {  	s3 =	sadd.s32 s3, s9;
	s6 =	sadd.s32 @!p0 $0x88, s6;
	s7 =	simm.s32 @p2 $0x1082  }
0x22: {  	[simem:s7], [sflag:s8] =	dma.local @!p0 [hbm:s6], $0xF7A  }
0x23: {  	s9 =	sor.u32 $0xD0000000, s2;
	s6 =	simm.s32 $0x108;
	_ =	swait.ge @!p0 [sflag:s8], $0x0  }
0x24: {  	s3 =	sadd.s32 $0x88, s3;
	s6 =	simm.s32 @!p1 $0x1082;
	[sflag:s4] =	ssyncset.s32 $0xFFFFF086  }
0x25: {  	[simem:s6], [sflag:s4] =	dma.local [hbm:s3], $0xF7A  }
0x26: {  	[smem:$0x3F96] =	sst s1;
	(tag) =	ssettag s2;
	_ =	strace s9  }
0x27: {  	s1 =	sld [smem:$0x3FA6]  }
0x28: {  	s2 =	sld [smem:$0x3FA7]  }
0x29: {  	s4 =	sld [smem:$0x3FA9]  }
0x2a: {  	p0 =	seq.s32 s5, $0x0;
	s5 =	sld [smem:$0x3FAA]  }
0x2b: {  	s6 =	sld [smem:$0x3FAB]  }
0x2c: {  	s7 =	sld [smem:$0x3FAC]  }
0x2d: {  	s3 =	simm.s32 $0x108;
	s8 =	sld [smem:$0x3FAD]  }
0x2e: {  	s3 =	simm.s32 @!p0 $0x1082;
	s9 =	sld [smem:$0x3FAE]  }
0x2f: {  	lr =	sadd.s32 s0, s3;
	s0 =	sld [smem:$0x3FA5]  }
0x30: {  	s3 =	sld [smem:$0x3FA8]  }
0x31: {  	[smem:$0x3FB1] =	sst s10  }
0x32: {  	s10 =	sld [smem:$0x3FAF];
	_ =	sdelay $0x3  }
0x33: {  	p0 =	seq.s32 s10, $0x1;
	s10 =	sld [smem:$0x3FB1];
	_ =	sdelay $0x3  }
0x34: {  	[smem:$0x3FB1] =	sst s10  }
0x35: {  	s10 =	sld [smem:$0x3FB0];
	_ =	sdelay $0x3  }
0x36: {  	p1 =	seq.s32 s10, $0x1;
	s10 =	sld [smem:$0x3FB1];
	_ =	sdelay $0x3  }
0x37: {  	[smem:$0x3FB1] =	sst s10  }
0x38: {  	s10 =	sld [smem:$0x3FB2]  }
0x39: {  	_ = 	snop;
	(pc) =	sbr.ind lr, $3  }
0x3a: {  	_ = 	snop  }
0x3b: {  	_ = 	snop  }
0x3c: {  	p2 =	seq.s32 s10, $0x1;
	s10 =	sld [smem:$0x3FB1]  }
0x3d: {  	_ =	shalt  }
0x3e: {  	_ =	shalt  }
0x3f: {  	_ =	shalt  }
0x40: {  	_ =	shalt  }
0x41: {  	_ =	shalt  }
0x42: {  	_ =	shalt  }
0x43: {  	_ =	shalt  }
0x44: {  	_ =	shalt  }
0x45: {  	_ =	shalt  }
0x46: {  	_ =	shalt  }
0x47: {  	_ =	shalt  }
0x48: {  	_ =	shalt  }
0x49: {  	_ =	shalt  }
0x4a: {  	_ =	shalt  }
0x4b: {  	_ =	shalt  }
0x4c: {  	_ =	shalt  }
0x4d: {  	_ =	shalt  }
0x4e: {  	_ =	shalt  }
0x4f: {  	_ =	shalt  }
0x50: {  	_ =	shalt  }
0x51: {  	_ =	shalt  }
0x52: {  	_ =	shalt  }
0x53: {  	_ =	shalt  }
0x54: {  	_ =	shalt  }
0x55: {  	_ =	shalt  }
0x56: {  	_ =	shalt  }
0x57: {  	_ =	shalt  }
0x58: {  	_ =	shalt  }
0x59: {  	_ =	shalt  }
0x5a: {  	_ =	shalt  }
0x5b: {  	_ =	shalt  }
0x5c: {  	_ =	shalt  }
0x5d: {  	_ =	shalt  }
0x5e: {  	_ =	shalt  }
0x5f: {  	_ =	shalt  }
0x60: {  	_ =	shalt  }
0x61: {  	_ =	shalt  }
0x62: {  	_ =	shalt  }
0x63: {  	_ =	shalt  }
0x64: {  	_ =	shalt  }
0x65: {  	_ =	shalt  }
0x66: {  	_ =	shalt  }
0x67: {  	_ =	shalt  }
0x68: {  	_ =	shalt  }
0x69: {  	_ =	shalt  }
0x6a: {  	_ =	shalt  }
0x6b: {  	_ =	shalt  }
0x6c: {  	_ =	shalt  }
0x6d: {  	_ =	shalt  }
0x6e: {  	_ =	shalt  }
0x6f: {  	_ =	shalt  }
0x70: {  	_ =	shalt  }
0x71: {  	_ =	shalt  }
0x72: {  	_ =	shalt  }
0x73: {  	_ =	shalt  }
0x74: {  	_ =	shalt  }
0x75: {  	_ =	shalt  }
0x76: {  	_ =	shalt  }
0x77: {  	_ =	shalt  }
0x78: {  	_ =	shalt  }
0x79: {  	_ =	shalt  }
0x7a: {  	_ =	shalt  }
0x7b: {  	_ =	shalt  }
0x7c: {  	_ =	shalt  }
0x7d: {  	_ =	shalt  }
0x7e: {  	_ =	shalt  }
0x7f: {  	_ =	shalt  }
0x80: {  	_ =	shalt  }
0x81: {  	_ =	shalt  }
0x82: {  	_ =	shalt  }
0x83: {  	_ =	shalt  }
0x84: {  	_ =	shalt  }
0x85: {  	_ =	shalt  }
0x86: {  	_ =	shalt  }
0x87: {  	_ =	shalt  }
.Lfunc_end0:
.L_simem_size_0:
called_computation_lowered:
.L_overlay_start_0:
0x88: {  	s2 =	sld [smem:$0x3FD9]  }
0x89: {  	s3 =	sld [smem:$0x3FFE];
	_ =	sdelay $0x1  }
0x8a: {  	s1 =	srdreg.scid  }
0x8b: {  	s0 =	sand.u32 $0x1, s1  }
0x8c: {  	s17 =	sshll.u32 s0, $0xA;
	s2 =	sadd.s32 s3, s2  }
0x8d: {  	s2 =	sadd.s32 s2, s17  }
0x8e: {  	[smem:$0x3FBD] =	sst s2  }
0x8f: {  	_ = 	snop  }
0x90: {  	s2 =	sld [smem:$0x3FD0];
	(tm) =	ssettm $0x1  }
0x91: {  	s18 =	sld [smem:$0x3FFB];
	_ =	sdelay $0x3  }
0x92: {  	_ =	strace s18  }
0x93: {  	s3 =	sld [smem:$0x3FFC];
	_ =	sdelay $0x3  }
0x94: {  	_ =	strace s3  }
0x95: {  	s3 =	sld [smem:$0x3FFD];
	_ =	sdelay $0x3  }
0x96: {  	_ =	strace s3  }
0x97: {  	_ =	strace $0x8FFFFFFF  }
0x98: {  	s19 =	sld [smem:$0x3FDB];
	_ =	sdelay $0x1  }
0x99: {  	s4 =	simm.s32 $_scs_section_size  }
0x9a: {  	s5 =	simm.s32 $_size__tile_overlayer_lowered;
	s6 =	simm.s32 $_tile_overlayer_lowered  }
0x9b: {  	s22 =	simm.s32 $0x1BFF;
	s21 =	sshll.u32 s6, $0x1;
	s3 =	sadd.s32 s4, s19  }
0x9c: {  	s7 =	simm.s32 $0x0;
	s20 =	sshll.u32 s5, $0x1;
	s5 =	sadd.s32 s21, s3  }
0x9d: {  	[timem:s7], [sflag:s22] =	dma.local [hbm:s5], s20  }
0x9e: {  	_ =	swait.ge [sflag:s22], s20  }
0x9f: {  	s4 =	ssub.s32 $0x0, s20;
	[sflag:s22] =	ssyncset.done $0x0  }
0xa0: {  	[sflag:s22] =	ssyncadd.s32 s4;
	_ =	sdelay $0x1  }
0xa1: {  	s23 =	simm.s32 $0x1B8B  }
0xa2: {  	_ =	swait.ge [sflag:s23], $0x1  }
0xa3: {  	[sflag:s23] =	ssyncset.done $0x0  }
0xa4: {  	s25 =	simm.s32 $0x1B8E;
	s24 =	sld [smem:$0x3FFE];
	[sflag:s23] =	ssyncadd.s32 $0xFFFFFFFF  }
0xa5: {  	s26 =	simm.s32 $execute0_lowered;
	[smem:$0x3FD2] =	sst s25  }
0xa6: {  	s5 =	sshll.u32 s26, $0x1;
	_ =	strace $0x80000046;
	[dreg:$0x1] =	wrdreg $0xFFFFFFFF  }
0xa7: {  	s28 =	simm.s32 $_size_execute0_lowered;
	s3 =	sadd.s32 s3, s5;
	[dreg:$0x0] =	wrdreg $0x0  }
0xa8: {  	s5 =	sshll.u32 s28, $0x1;
	[dreg:$0x2] =	wrdreg s3  }
0xa9: {  	[dreg:$0x3] =	wrdreg s5  }
0xaa: {  	[dreg:$0x4] =	wrdreg $0xC0  }
0xab: {  	_ =	task [dreg:s7], $0x5FFFF  }
0xac: {  	[dreg:$0x1] =	wrdreg $0xFFFFFFFF  }
0xad: {  	[dreg:$0x0] =	wrdreg $0x60  }
0xae: {  	[dreg:$0x2] =	wrdreg s2  }
0xaf: {  	[dreg:$0x3] =	wrdreg s24  }
0xb0: {  	[dreg:$0x4] =	wrdreg $0x0  }
0xb1: {  	[dreg:$0x5] =	wrdreg $0x140000  }
0xb2: {  	[dreg:$0x6] =	wrdreg $0x9  }
0xb3: {  	_ =	task.clear_ibuf [dreg:s7], $0x7FFFF;
	_ =	strace $0x90000046  }
0xb4: {  	s29 =	simm.s32 $0x9;
	_ =	strace $0x80000048  }
0xb5: {  	_ =	swait.ge [sflag:s29], $0x1  }
0xb6: {  	[sflag:s29] =	ssyncadd.s32 $0xFFFFFFFF  }
0xb7: {  	_ =	strace $0x90000048  }
0xb8: {  	_ =	sfence  }
0xb9: {  	s30 =	sld [smem:$0x0];
	_ =	sdelay $0x2  }
0xba: {  	s31 =	sshll.u32 s1, $0xD;
	s1 =	sshrl.u32 s1, $0x2  }
0xbb: {  	s3 =	sand.u32 $0x4000, s31;
	s1 =	sadd.s32 s1, s30  }
0xbc: {  	s0 =	sor.u32 s3, s0;
	s1 =	sshll.u32 s1, $0x11  }
0xbd: {  	s0 =	sor.u32 s1, s0  }
0xbe: {  	s0 =	sadd.s32 $0x8F2B, s0  }
0xbf: {  	[sflag:s0] =	ssyncadd.remote.s32 $0x1  }
0xc0: {  	_ =	sfence.sel $0xFFFF  }
0xc1: {  	[dreg:$0x0] =	wrdreg $0xFFFFFFFF;
	(pc) =	sbr.abs _section_cstart, $3  }
0xc2: {  	[dreg:$0x1] =	wrdreg $0xFFFFFFFF  }
0xc3: {  	_ =	task.clear_ibuf [dreg:s7], $0x2FFFF;
	_ =	strace $0x9FFFFFFF  }
0xc4: {  	(tm) =	ssettm $0x7FFFFFFF  }
0xc5: {  	_ =	shalt  }
tec
execute0_lowered:
.L_overlay_start_1:
0x0: {  	(tag) =	ssettag $0x1  }
0x1: {  	s1 =	rddreg [dreg:$0x0]  }
0x2: {  	s0 =	srdreg.scid;
	s11 =	rddreg [dreg:$0x1]  }
0x3: {  	s22 =	stileid.u32;
	s3 =	rddreg [dreg:$0x2]  }
0x4: {  	s4 =	rddreg [dreg:$0x3];
	s5 =	simm.s32 $0x0;
	s19 =	simm.s32 $0x16A00  }
0x5: {  	s20 =	simm.s32 $0x50;
	s21 =	simm.s32 $0x1AA00;
	s28 =	simm.s32 $0x1A800  }
0x6: {  	s29 =	simm.s32 $0x0;
	s10 =	sand.u32 $0x1, s0;
	s14 =	smul.u32 $0x50000, s22  }
0x7: {  	s23 =	sshll.u32 s22, $0x7;
	[smem:$0x7FF] =	sst s5;
	s16 =	smul.u32 $0x280, s22  }
0x8: {  	s30 =	sshll.u32 s22, $0x6;
	s2 =	sshll.u32 s10, $0x4;
	s8 =	sand.u32 $0x380, s23  }
0x9: {  	_ =	strace $0x80000047;
	s24 =	smul.u32 $0x28000, s10;
	s13 =	ssub.s32 $0x2, s10  }
0xa: {  	p0 =	seq.s32 s10, $0x1;
	s23 =	simm.s32 $0x1;
	s6 =	sor.u32 s22, s2  }
0xb: {  	s25 =	sshrl.u32 s13, $0x1;
	s26 =	sshrl.u32 s14, $0x2;
	s18 =	sadd.s32 s16, s4  }
0xc: {  	s14 =	simm.s32 $0x20000;
	s31 =	sshrl.u32 s16, $0x3;
	s16 =	simm.s32 $0x80  }
0xd: {  	s2 =	sshrl.u32 s6, $0x3;
	s6 =	sshll.u32 s6, $0xB;
	s15 =	sadd.s32 s24, s11  }
0xe: {  	s13 =	ssub.s32 s13, s25;
	s17 =	sadd.s32 s26, s3;
	s14 =	simm.s32 @!p0 $0x1FA00  }
0xf: {  	s25 =	smul.u32 $0x2800, s22;
	s22 =	simm.s32 $0x1D200;
	s26 =	simm.s32 $0x2  }
0x10: {  	s7 =	smul.u32 $0x13C00, s2;
	s12 =	sadd.s32 s6, s11;
	s6 =	sadd.s32 $0x1D200, s11  }
0x11: {  	s24 =	sadd.s32 $0x20600, s15;
	s14 =	sadd.s32 s14, s11;
	s15 =	sshrl.u32 s18, $0x3  }
0x12: {  	s18 =	simm.s32 $0x14280;
	s10 =	sadd.s32 $0x3200, s12;
	s12 =	sadd.s32 s14, s31  }
0x13: {  	s14 =	simm.s32 $0x3;
	s24 =	sadd.s32 s25, s24;
	s7 =	sor.u32 s8, s7  }
0x14: {  	s25 =	simm.s32 $0x1FA00;
	s8 =	sor.u32 $0x1C03, s30;
	s7 =	sshrl.u32 s7, $0x3  }
0x15: {  	s9 =	sadd.s32 s7, s11;
	s7 =	sadd.s32 $0x1D000, s11;
	s11 =	smax.u32 s13, $0x1  }
0x16: {  	v0 =	vimm.f32 $1.000000000e+00;
	s13 =	sshrl.u32 s17, $0x3;
	s17 =	simm.s32 $0x400;
	s9 =	sadd.s32 $0x13200, s9  }
.LBB2_1:
0x17: {  	[spmem:s13], [sflag:s8] =	dma.local [hbm:s6], $0x2800  }
0x18: {  	_ =	swait.ge [sflag:s14], $0x2800  }
0x19: {  	[sflag:s14] =	ssyncset.done $0x0  }
0x1a: {  	[sflag:s14] =	ssyncadd.s32 $0xFFFFD800  }
0x1b: {  	[spmem:s15], [sflag:s8] =	dma.local [hbm:s7], $0x50  }
0x1c: {  	_ =	swait.ge [sflag:s14], $0x50  }
0x1d: {  	[sflag:s14] =	ssyncset.done $0x0  }
0x1e: {  	[sflag:s14] =	ssyncadd.s32 $0xFFFFFFB0  }
0x1f: {  	[tilespmem:s18], [sflag:$0x3] =	stream.strided.gather [hbm4b:s9+s16], $0x2780, s17, s16, $0x38;
	[tilespmem:$0x1FA80] =	vst v63  }
0x20: {  	_ =	swait.ge [sflag:s14], $0x2780  }
0x21: {  	[sflag:s14] =	ssyncset.done $0x0  }
0x22: {  	[sflag:s14] =	ssyncadd.s32 $0xFFFFD880  }
0x23: {  	[tilespmem:s19], [sflag:$0x3] =	stream.linear.gather [hbm4b:s10+s5], $0x3E80, $0x38;
	[tilespmem:$0x1FA80] =	vst v63  }
0x24: {  	_ =	swait.ge [sflag:s14], $0x3E80  }
0x25: {  	[sflag:s14] =	ssyncset.done $0x0  }
0x26: {  	[sflag:s14] =	ssyncadd.s32 $0xFFFFC180  }
0x27: {  	[tilespmem:$0x1FA00] =	vst v0  }
0x28: {  	[tilespmem:$0x1FA10] =	vst v0  }
0x29: {  	[tilespmem:$0x1FA20] =	vst v0  }
0x2a: {  	[tilespmem:$0x1FA30] =	vst v0  }
0x2b: {  	[tilespmem:$0x1FA40] =	vst v0  }
0x2c: {  	[bflag:$0x0] =	sbarrier.arrive $0xFFFF  }
0x2d: {  	[tilespmem:s21], [sflag:$0x1] =	stream.indirect.gather [hbm4b:s1+s20], $0x80, s18, s20, $0xb8;
	[tilespmem:$0x1FA80] =	vst v63  }
0x2e: {  	s30 =	simm.s32 $0x142D0  }
0x2f: {  	[tilespmem:s22], [sflag:$0x2] =	stream.indirect.gather [hbm4b:s1+s20], $0x80, s30, s20, $0xb8;
	[tilespmem:$0x1FA80] =	vst v63  }
0x30: {  	_ =	swait.ge [sflag:s23], $0x2800  }
0x31: {  	[sflag:s23] =	ssyncset.done $0x0  }
0x32: {  	s31 =	simm.s32 $0x16A00;
	[sflag:s23] =	ssyncadd.s32 $0xFFFFD800  }
0x33: {  	[spmem:s3] =	stream.indirect.scatter.add.f32 [tilespmem:s21], [sflag:$0x3], $0x80, s31, s20, $0xb8;
	[tilespmem:$0x1FA80] =	vst v63  }
0x34: {  	_ =	swait.ge [sflag:s14], $0x2800  }
0x35: {  	[sflag:s14] =	ssyncset.done $0x0  }
0x36: {  	[sflag:s14] =	ssyncadd.s32 $0xFFFFD800  }
0x37: {  	[spmem:s4] =	stream.indirect.scatter.add.f32 [tilespmem:s25], [sflag:$0x3], $0x1, s31, s20, $0xb8;
	[tilespmem:$0x1FA80] =	vst v63  }
0x38: {  	_ =	swait.ge [sflag:s14], $0x50  }
0x39: {  	[sflag:s14] =	ssyncset.done $0x0  }
0x3a: {  	s31 =	simm.s32 $0x14320;
	[sflag:s14] =	ssyncadd.s32 $0xFFFFFFB0  }
0x3b: {  	[tilespmem:s21], [sflag:$0x1] =	stream.indirect.gather [hbm4b:s1+s20], $0x80, s31, s20, $0xb8;
	[tilespmem:$0x1FA80] =	vst v63  }
0x3c: {  	_ =	swait.ge [sflag:s26], $0x2800  }
0x3d: {  	[sflag:s26] =	ssyncset.done $0x0  }
0x3e: {  	s31 =	simm.s32 $0x16A80;
	[sflag:s26] =	ssyncadd.s32 $0xFFFFD800  }
0x3f: {  	[spmem:s3] =	stream.indirect.scatter.add.f32 [tilespmem:s22], [sflag:$0x3], $0x80, s31, s20, $0xb8;
	[tilespmem:$0x1FA80] =	vst v63  }
0x40: {  	_ =	swait.ge [sflag:s14], $0x2800  }
0x41: {  	[sflag:s14] =	ssyncset.done $0x0  }
0x42: {  	[sflag:s14] =	ssyncadd.s32 $0xFFFFD800  }
0x43: {  	[spmem:s4] =	stream.indirect.scatter.add.f32 [tilespmem:s25], [sflag:$0x3], $0x1, s31, s20, $0xb8;
	[tilespmem:$0x1FA80] =	vst v63  }
0x44: {  	_ =	swait.ge [sflag:s14], $0x50  }
0x45: {  	s31 =	simm.s32 $0x400;
	[sflag:s14] =	ssyncset.done $0x0  }
.LBB2_2:
0x46: {  	p0 =	sne.s32 s31, $0xF400;
	[sflag:s14] =	ssyncadd.s32 $0xFFFFFFB0;
	s30 =	sadd.s32 $0xA0, s30  }
0x47: {  	[tilespmem:s22], [sflag:$0x2] =	stream.indirect.gather [hbm4b:s1+s20], $0x80, s30, s20, $0xb8;
	[tilespmem:$0x1FA80] =	vst v63  }
0x48: {  	s2 =	smov.u32 s31;
	s31 =	sadd.s32 $0x400, s31;
	_ =	swait.ge [sflag:s23], $0x2800  }
0x49: {  	s2 =	sshra.s32 s2, $0x2;
	[sflag:s23] =	ssyncset.done $0x0  }
0x4a: {  	s0 =	sadd.s32 $0x16A00, s2;
	[sflag:s23] =	ssyncadd.s32 $0xFFFFD800  }
0x4b: {  	[spmem:s3] =	stream.indirect.scatter.add.f32 [tilespmem:s21], [sflag:$0x3], $0x80, s0, s20, $0xb8;
	[tilespmem:$0x1FA80] =	vst v63  }
0x4c: {  	_ =	swait.ge [sflag:s14], $0x2800  }
0x4d: {  	[sflag:s14] =	ssyncset.done $0x0  }
0x4e: {  	[sflag:s14] =	ssyncadd.s32 $0xFFFFD800  }
0x4f: {  	[spmem:s4] =	stream.indirect.scatter.add.f32 [tilespmem:s25], [sflag:$0x3], $0x1, s0, s20, $0xb8;
	[tilespmem:$0x1FA80] =	vst v63  }
0x50: {  	_ =	swait.ge [sflag:s14], $0x50  }
0x51: {  	[sflag:s14] =	ssyncset.done $0x0  }
0x52: {  	s0 =	sadd.s32 $0x50, s30;
	[sflag:s14] =	ssyncadd.s32 $0xFFFFFFB0  }
0x53: {  	[tilespmem:s21], [sflag:$0x1] =	stream.indirect.gather [hbm4b:s1+s20], $0x80, s0, s20, $0xb8;
	[tilespmem:$0x1FA80] =	vst v63  }
0x54: {  	_ =	swait.ge [sflag:s26], $0x2800  }
0x55: {  	[sflag:s26] =	ssyncset.done $0x0  }
0x56: {  	s0 =	sadd.s32 $0x16A80, s2;
	[sflag:s26] =	ssyncadd.s32 $0xFFFFD800  }
0x57: {  	[spmem:s3] =	stream.indirect.scatter.add.f32 [tilespmem:s22], [sflag:$0x3], $0x80, s0, s20, $0xb8;
	[tilespmem:$0x1FA80] =	vst v63  }
0x58: {  	_ =	swait.ge [sflag:s14], $0x2800  }
.Ltmp0:
0x59: {  	[sflag:s14] =	ssyncset.done $0x0;
	(pc) =	sbr.rel @p0 .LBB2_2-.Ltmp0, $4  }
0x5a: {  	[sflag:s14] =	ssyncadd.s32 $0xFFFFD800  }
0x5b: {  	[spmem:s4] =	stream.indirect.scatter.add.f32 [tilespmem:s25], [sflag:$0x3], $0x1, s0, s20, $0xb8;
	[tilespmem:$0x1FA80] =	vst v63  }
0x5c: {  	_ =	swait.ge [sflag:s14], $0x50  }
0x5d: {  	[sflag:s14] =	ssyncset.done $0x0  }
0x5e: {  	[sflag:s14] =	ssyncadd.s32 $0xFFFFFFB0  }
0x5f: {  	_ =	swait.ge [sflag:s23], $0x2800  }
0x60: {  	[sflag:s23] =	ssyncset.done $0x0  }
0x61: {  	[sflag:s23] =	ssyncadd.s32 $0xFFFFD800  }
0x62: {  	[spmem:s3] =	stream.indirect.scatter.add.f32 [tilespmem:s21], [sflag:$0x3], $0x80, s28, s20, $0xb8;
	[tilespmem:$0x1FA80] =	vst v63  }
0x63: {  	_ =	swait.ge [sflag:s14], $0x2800  }
0x64: {  	[sflag:s14] =	ssyncset.done $0x0  }
0x65: {  	[sflag:s14] =	ssyncadd.s32 $0xFFFFD800  }
0x66: {  	[spmem:s4] =	stream.indirect.scatter.add.f32 [tilespmem:s25], [sflag:$0x3], $0x1, s28, s20, $0xb8;
	[tilespmem:$0x1FA80] =	vst v63  }
0x67: {  	_ =	swait.ge [sflag:s14], $0x50  }
0x68: {  	[sflag:s14] =	ssyncset.done $0x0  }
0x69: {  	[sflag:s14] =	ssyncadd.s32 $0xFFFFFFB0  }
0x6a: {  	[bflag:$0x0] =	sbarrier.arrive $0xFFFF  }
0x6b: {  	[hbm:s24], [sflag:s8] =	dma.local [spmem:s13], $0x2800  }
0x6c: {  	s29 =	sadd.s32 $0x1, s29;
	_ =	swait.ge [sflag:s14], $0x2800  }
0x6d: {  	p0 =	sne.s32 s29, s11;
	[sflag:s14] =	ssyncset.done $0x0  }
.Ltmp1:
0x6e: {  	[sflag:s14] =	ssyncadd.s32 $0xFFFFD800;
	(pc) =	sbr.rel @p0 .LBB2_1-.Ltmp1, $4  }
0x6f: {  	[hbm:s12], [sflag:s8] =	dma.local [spmem:s15], $0x50  }
0x70: {  	_ =	swait.ge [sflag:s14], $0x50  }
0x71: {  	[sflag:s14] =	ssyncset.done $0x0  }
0x72: {  	[sflag:s14] =	ssyncadd.s32 $0xFFFFFFB0  }
0x73: {  	_ =	sfence.sel $0x180000  }
0x74: {  	[bflag:$0x0] =	sbarrier.arrive $0xFFFF  }
0x75: {  	_ =	strace $0x90000047  }
0x76: {  	s0 =	stileid.u32;
	[bflag:$0x2] =	sbarrier.arrive $0xFFFF  }
0x77: {  	p0 =	sne.s32 s0, $0x0;
	s0 =	rddreg [dreg:$0x4]  }
0x78: {  	s0 =	sadd.s32 @!p0 $0x100000, s0  }
0x79: {  	[sflag:s0] =	ssyncadd.tile.s32 @!p0 $0x1;
	_ =	shalt  }
.Lfunc_end2:
_tile_overlayer_lowered:
.L_overlay_start_2:
0x7a: {  	(tag) =	ssettag $0x2  }
0x7b: {  	s0 =	rddreg [dreg:$0x0];
	s2 =	stileid.u32  }
0x7c: {  	s1 =	rddreg [dreg:$0x1];
	p0 =	sne.s32 s2, $0x0  }
0x7d: {  	s3 =	rddreg [dreg:$0x2];
	[bflag:$0x3] =	sbarrier.arrive $0xFFFF;
	s2 =	simm.s32 @!p0 $0x1C03  }
0x7e: {  	[timem:s3], [sflag:s2] =	dma.local @!p0 [hbm:s0], s1  }
0x7f: {  	s0 =	simm.s32 @!p0 $0x3  }
0x80: {  	_ =	swait.ge @!p0 [sflag:s0], s1  }
0x81: {  	s1 =	ssub.s32 @!p0 $0x0, s1;
	[sflag:s0] =	ssyncset.done @!p0 $0x0  }
0x82: {  	[sflag:s0] =	ssyncadd.s32 @!p0 s1  }
0x83: {  	[bflag:$0x3] =	sbarrier.arrive $0xFFFF  }
0x84: {  	_ =	shalt  }

</sc_bundles>
